<compile_context>
chip_gen: v7x
topology: tpu7x:2x2x1
jax: 0.10.2.dev20260603
libtpu: 0.0.44.dev20260713+nightly
codegen_flags: <defaults>
</compile_context>

<pallas_src>
import functools

import jax
import jax.numpy as jnp
from jax import lax
from jax.experimental import pallas as pl
from jax.experimental.pallas import tpu as pltpu
from jax.experimental.pallas import tpu_sc as plsc

N = 10000
E = 320000
NPAD = 10240
IN_CH = 128
HID = 128
OUT = 64

NC = 2
NS = 16
NW = NC * NS
K = 128
ITERS = 2 * (-(-E // (NW * K * 2)))
E_PAD = NW * K * ITERS
EPT = K * ITERS
I0 = 160
I1 = 2 * ITERS - I0

_F32 = jnp.float32
_HIGHEST = lax.Precision.HIGHEST


def _dot(a, b):
    return lax.dot_general(a, b, (((1,), (0,)), ((), ())),
                           precision=_HIGHEST, preferred_element_type=_F32)



_MESH = plsc.VectorSubcoreMesh(core_axis_name="c", subcore_axis_name="s",
                               num_cores=NC, num_subcores=NS)


def _fill_rows(ref, rows, width, value):
    def body(i, _):
        for j in range(width // 16):
            ref[i, pl.ds(j * 16, 16)] = jnp.full((16,), value, _F32)
        return 0
    lax.fori_loop(0, rows, body, 0)


def _deg_body(dst_hbm, out_hbm, didx_v, hist_v, sem):
    c = lax.axis_index("c")
    s = lax.axis_index("s")
    wid = c * NS + s
    def zero(i, _):
        hist_v[pl.ds(i * 16, 16)] = jnp.zeros((16,), _F32)
        return 0
    lax.fori_loop(0, NPAD // 16, zero, 0)
    pltpu.sync_copy(dst_hbm.at[pl.ds(wid * EPT, EPT)], didx_v)
    ones = jnp.full((16,), 1.0, _F32)
    def body(k, _):
        for g in range(K // 16):
            idx = didx_v[pl.ds(k * K + g * 16, 16)]
            plsc.addupdate_scatter(hist_v, [idx], ones)
        return 0
    lax.fori_loop(0, ITERS, body, 0)
    pltpu.sync_copy(hist_v, out_hbm.at[wid])


_deg_kernel = pl.kernel(
    _deg_body,
    out_type=jax.ShapeDtypeStruct((NW, NPAD), _F32),
    mesh=_MESH,
    compiler_params=pltpu.CompilerParams(use_tc_tiling_on_sc=False,
                                         needs_layout_passes=False),
    scratch_types=[
        pltpu.VMEM((EPT,), jnp.int32),
        pltpu.VMEM((NPAD,), _F32),
        pltpu.SemaphoreType.DMA,
    ],
)


def _make_spmm(D):

    def body(hs_hbm, src_hbm, dst_hbm, out_hbm, sidx, didx, rows, acc_sh,
             gsem, isem):
        c = lax.axis_index("c")
        s = lax.axis_index("s")

        @pl.when(c == 0)
        def _():
            _fill_rows(rows[0], K, D, 0.0)
            rpt = NPAD // NS
            for jj in range(rpt // K):
                pltpu.sync_copy(rows[0], acc_sh.at[pl.ds(s * rpt + jj * K, K)])
            plsc.subcore_barrier()
            base = s * (I0 * K)

            def idx_copy(k, p):
                off = pl.multiple_of(base + k * K, K)
                pltpu.async_copy(src_hbm.at[pl.ds(off, K)], sidx[p],
                                 isem.at[p])
                pltpu.async_copy(dst_hbm.at[pl.ds(off, K)], didx[p],
                                 isem.at[p])

            def idx_wait(p):
                pltpu.make_async_copy(src_hbm.at[pl.ds(0, K)], sidx[p],
                                      isem.at[p]).wait()
                pltpu.make_async_copy(dst_hbm.at[pl.ds(0, K)], didx[p],
                                      isem.at[p]).wait()

            def gather_wait(p):
                pltpu.make_async_copy(hs_hbm.at[sidx[p]], rows[p],
                                      gsem.at[p]).wait()

            idx_copy(0, 0)

            def pair(j, _):
                k0 = 2 * j
                idx_wait(0)
                pltpu.async_copy(hs_hbm.at[sidx[0]], rows[0], gsem.at[0])
                @pl.when(j > 0)
                def _():
                    gather_wait(1)
                    pltpu.sync_copy(rows[1], acc_sh.at[didx[1]], add=True)
                idx_copy(k0 + 1, 1)
                idx_wait(1)
                pltpu.async_copy(hs_hbm.at[sidx[1]], rows[1], gsem.at[1])
                gather_wait(0)
                pltpu.sync_copy(rows[0], acc_sh.at[didx[0]], add=True)
                @pl.when(j < I0 // 2 - 1)
                def _():
                    idx_copy(k0 + 2, 0)
                return 0
            lax.fori_loop(0, I0 // 2, pair, 0)
            gather_wait(1)
            pltpu.sync_copy(rows[1], acc_sh.at[didx[1]], add=True)
            plsc.subcore_barrier()
            for jj in range(rpt // K):
                r0 = s * rpt + jj * K
                pltpu.sync_copy(acc_sh.at[pl.ds(r0, K)],
                                out_hbm.at[0, pl.ds(r0, K)])

    return pl.kernel(
        body,
        out_type=jax.ShapeDtypeStruct((1, NPAD, D), _F32),
        mesh=_MESH,
        compiler_params=pltpu.CompilerParams(use_tc_tiling_on_sc=False),
        scratch_types=[
            [pltpu.VMEM((K,), jnp.int32) for _ in range(2)],
            [pltpu.VMEM((K,), jnp.int32) for _ in range(2)],
            [pltpu.VMEM((K, D), _F32) for _ in range(2)],
            pltpu.VMEM_SHARED((NPAD, D), _F32),
            pltpu.SemaphoreType.DMA((2,)),
            pltpu.SemaphoreType.DMA((2,)),
        ],
    )


_spmm_hid = _make_spmm(HID)
_spmm_out = _make_spmm(OUT)



_BLK = 1024
_GRID = NPAD // _BLK


def _dinv_from(degp_ref):
    deg = jnp.sum(degp_ref[...], axis=0)[:, None] + 1.0
    return lax.rsqrt(deg)


def _tcA_body(x_ref, w1_ref, degp_ref, hs_ref):
    dinv = _dinv_from(degp_ref)
    hs_ref[...] = _dot(x_ref[...], w1_ref[...]) * dinv


def _tcB_body(p_ref, hs_ref, degp_ref, w2_ref, b1_ref, h2s_ref):
    dinv = _dinv_from(degp_ref)
    z = (p_ref[0] + hs_ref[...]) * dinv + b1_ref[...]
    z = jnp.maximum(z, 0.0)
    h2s_ref[...] = _dot(z, w2_ref[...]) * dinv


def _tcC_body(p_ref, h2s_ref, degp_ref, b2_ref, out_ref):
    dinv = _dinv_from(degp_ref)
    logits = (p_ref[0] + h2s_ref[...]) * dinv + b2_ref[...]
    m = jnp.max(logits, axis=1, keepdims=True)
    e = jnp.exp(logits - m)
    out_ref[...] = e / jnp.sum(e, axis=1, keepdims=True)


def _row_spec(d):
    return pl.BlockSpec((_BLK, d), lambda i: (i, 0))


def _pair_spec(d):
    return pl.BlockSpec((1, _BLK, d), lambda i: (0, i, 0))


_deg_spec = pl.BlockSpec((NW, _BLK), lambda i: (0, i))


def _full_spec(r, d):
    return pl.BlockSpec((r, d), lambda i: (0, 0))


_tcA = pl.pallas_call(
    _tcA_body,
    grid=(_GRID,),
    in_specs=[_row_spec(IN_CH), _full_spec(IN_CH, HID), _deg_spec],
    out_specs=_row_spec(HID),
    out_shape=jax.ShapeDtypeStruct((NPAD, HID), _F32),
)

_tcB = pl.pallas_call(
    _tcB_body,
    grid=(_GRID,),
    in_specs=[_pair_spec(HID), _row_spec(HID), _deg_spec,
              _full_spec(HID, OUT), _full_spec(1, HID)],
    out_specs=_row_spec(OUT),
    out_shape=jax.ShapeDtypeStruct((NPAD, OUT), _F32),
)

_tcC = pl.pallas_call(
    _tcC_body,
    grid=(_GRID,),
    in_specs=[_pair_spec(OUT), _row_spec(OUT), _deg_spec,
              _full_spec(1, OUT)],
    out_specs=_row_spec(OUT),
    out_shape=jax.ShapeDtypeStruct((NPAD, OUT), _F32),
)



@jax.jit
def kernel(x, edge_index, W1, b1, W2, b2):
    src = edge_index[0].astype(jnp.int32)
    dst = edge_index[1].astype(jnp.int32)
    pad_e = E_PAD - E
    src_p = jnp.concatenate([src, jnp.full((pad_e,), N, jnp.int32)])
    dst_p = jnp.concatenate([dst, jnp.full((pad_e,), N, jnp.int32)])
    x_p = jnp.pad(x, ((0, NPAD - N), (0, 0)))

    degp = _deg_kernel(dst_p)
    hs = _tcA(x_p, W1, degp)
    p1 = _spmm_hid(hs, src_p, dst_p)
    h2s = _tcB(p1, hs, degp, W2, b1.reshape(1, HID))
    p2 = _spmm_out(h2s, src_p, dst_p)
    out = _tcC(p2, h2s, degp, b2.reshape(1, OUT))
    return out[:N]

# --- scband reference (transcript-rebuilt; emitter-appended) ---
"""Pipeline reference for scband-graph-policy-network-36335423324413 (READ-ONLY COPY).

The authoritative reference and input builder live on the scoring server;
editing this copy changes nothing except your own understanding.
"""

import jax, jax.numpy as jnp
import numpy as np


def gcn_conv(x, edge_index, W, b):
    N = x.shape[0]
    src = edge_index[0]
    dst = edge_index[1]
    loop = jnp.arange(N, dtype=edge_index.dtype)
    src = jnp.concatenate([src, loop])
    dst = jnp.concatenate([dst, loop])
    h = x @ W
    deg = jnp.zeros((N,), dtype=h.dtype).at[dst].add(1.0)
    deg_inv_sqrt = jnp.where(deg > 0, deg ** -0.5, 0.0)
    norm = deg_inv_sqrt[src] * deg_inv_sqrt[dst]
    msgs = h[src] * norm[:, None]
    out = jnp.zeros((N, h.shape[1]), dtype=h.dtype).at[dst].add(msgs)
    return out + b


def setup_inputs(seed: int = 0) -> dict:
    key = jax.random.key(seed)
    k1, k2, k3, k4, k5, k6 = jax.random.split(key, 6)
    n_nodes = 10000
    n_edges = 320000
    in_ch, hid_ch, out_ch = 128, 128, 64
    x = jax.random.normal(k1, (n_nodes, in_ch), dtype=jnp.float32)
    edge_index = jax.random.randint(k2, (2, n_edges), 0, n_nodes, dtype=jnp.int64)
    s1 = 1.0 / np.sqrt(in_ch)
    s2 = 1.0 / np.sqrt(hid_ch)
    W1 = jax.random.uniform(k3, (in_ch, hid_ch), minval=-s1, maxval=s1, dtype=jnp.float32)
    b1 = jnp.zeros((hid_ch,), dtype=jnp.float32)
    W2 = jax.random.uniform(k4, (hid_ch, out_ch), minval=-s2, maxval=s2, dtype=jnp.float32)
    b2 = jnp.zeros((out_ch,), dtype=jnp.float32)
    return {"x": x, "edge_index": edge_index, "W1": W1, "b1": b1, "W2": W2, "b2": b2}


def reference(x, edge_index, W1, b1, W2, b2):
    h = gcn_conv(x, edge_index, W1, b1)
    h = jax.nn.relu(h)
    h = gcn_conv(h, edge_index, W2, b2)
    return jax.nn.softmax(h, axis=1)

if __name__ == "__main__":
    import jax
    _d = setup_inputs()
    print(jax.jit(kernel)(*tuple(_d.values())))

</pallas_src>

<mosaic_0001>
#map = affine_map<(d0, d1) -> (0)>
#map1 = affine_map<(d0, d1) -> (0, 0)>
module attributes {stable_mosaic.version = 14 : i64} {
  func.func @_deg_body(%arg0: i32, %arg1: i32, %arg2: memref<327680xi32, #tpu.memory_space<hbm>>, %arg3: memref<32x10240xf32, #tpu.memory_space<hbm>>, %arg4: memref<10240xi32, #tpu.memory_space<vmem>>, %arg5: memref<10240xf32, #tpu.memory_space<vmem>>, %arg6: memref<!tpu.dma_semaphore, #tpu.memory_space<semaphore_mem>>) attributes {dimension_semantics = [#tpu.dimension_semantics<core_parallel>, #tpu.dimension_semantics<subcore_parallel>], iteration_bounds = array<i64: 2, 16>, scalar_prefetch = 0 : i64, scratch_operands = 3 : i64, tpu.core_type = #tpu.core_type<sc_vector_subcore>, window_params = [{transform_indices = #map}, {transform_indices = #map1}]} {
    %mul3A = arith.constant 16 : i32
    %mul3A_0 = arith.muli %arg0, %mul3A : i32
    %add3A = arith.addi %mul3A_0, %arg1 : i32
    %scan3A = arith.constant 0 : i32
    %scan3A_1 = arith.constant 0 : i32
    %scan3A_2 = arith.constant 640 : i32
    %scan3A_3 = arith.addi %scan3A_1, %scan3A_2 : i32
    %scan3A_4 = arith.constant 1 : i32
    %scan3A_5 = scf.for %scan3A_17 = %scan3A_1 to %scan3A_3 step %scan3A_4 iter_args(%scan3A_18 = %scan3A) -> (i32)  : i32 {
      %broadcast_in_dim3A_19 = arith.constant 0.000000e+00 : f32
      %broadcast_in_dim3A_20 = vector.broadcast %broadcast_in_dim3A_19 : f32 to vector<16xf32>
      %mul3A_21 = arith.constant 16 : i32
      %mul3A_22 = arith.muli %scan3A_17, %mul3A_21 : i32
      %swap3A = arith.index_cast %mul3A_22 : i32 to index
      %swap3A_23 = tpu.vector_load %arg5[%swap3A] {strides = array<i32>} : memref<10240xf32, #tpu.memory_space<vmem>>, vector<16xf32>,
      tpu.vector_store %arg5[%swap3A], %broadcast_in_dim3A_20 {strides = array<i32>} : memref<10240xf32, #tpu.memory_space<vmem>>, vector<16xf32>,
      %scan3A_24 = arith.constant 0 : i32
      scf.yield %scan3A_24 : i32
    }
    %scan3A_6 = arith.constant 640 : i32
    %mul3A_7 = arith.constant 10240 : i32
    %mul3A_8 = arith.muli %add3A, %mul3A_7 : i32
    "tpu.region"() ({
      %run_scoped3A = tpu.sem_alloc : memref<!tpu.dma_semaphore, #tpu.memory_space<semaphore_mem>>
      %dma_start3A = tpu.memref_slice %arg2[%mul3A_8] : memref<327680xi32, #tpu.memory_space<hbm>> -> memref<10240xi32, #tpu.memory_space<hbm>>
      %dma_start3A_17 = tpu.memref_slice %arg2[%mul3A_8] : memref<327680xi32, #tpu.memory_space<hbm>> -> memref<10240xi32, #tpu.memory_space<hbm>>
      tpu.enqueue_dma source(%dma_start3A_17 : memref<10240xi32, #tpu.memory_space<hbm>>) target(%arg4 : memref<10240xi32, #tpu.memory_space<vmem>>) target_semaphore(%run_scoped3A : memref<!tpu.dma_semaphore, #tpu.memory_space<semaphore_mem>>)
      %dma_wait3A = tpu.memref_slice %arg2[%mul3A_8] : memref<327680xi32, #tpu.memory_space<hbm>> -> memref<10240xi32, #tpu.memory_space<hbm>>
      %dma_wait3A_18 = tpu.memref_slice %arg2[%mul3A_8] : memref<327680xi32, #tpu.memory_space<hbm>> -> memref<10240xi32, #tpu.memory_space<hbm>>
      tpu.wait_dma2 semaphore(%run_scoped3A : memref<!tpu.dma_semaphore, #tpu.memory_space<semaphore_mem>>) src(%dma_wait3A_18 : memref<10240xi32, #tpu.memory_space<hbm>>) dst(%arg4 : memref<10240xi32, #tpu.memory_space<vmem>>)
      tpu.yield
    }) : () -> ()
    %broadcast_in_dim3A = arith.constant 1.000000e+00 : f32
    %broadcast_in_dim3A_9 = vector.broadcast %broadcast_in_dim3A : f32 to vector<16xf32>
    %scan3A_10 = arith.constant 0 : i32
    %scan3A_11 = arith.constant 0 : i32
    %scan3A_12 = arith.constant 80 : i32
    %scan3A_13 = arith.addi %scan3A_11, %scan3A_12 : i32
    %scan3A_14 = arith.constant 1 : i32
    %scan3A_15 = scf.for %scan3A_17 = %scan3A_11 to %scan3A_13 step %scan3A_14 iter_args(%scan3A_18 = %scan3A_10) -> (i32)  : i32 {
      %mul3A_19 = arith.constant 128 : i32
      %mul3A_20 = arith.muli %scan3A_17, %mul3A_19 : i32
      %add3A_21 = arith.constant 0 : i32
      %add3A_22 = arith.addi %mul3A_20, %add3A_21 : i32
      %get3A = arith.index_cast %add3A_22 : i32 to index
      %get3A_23 = tpu.vector_load %arg4[%get3A] {strides = array<i32>} : memref<10240xi32, #tpu.memory_space<vmem>>, vector<16xi32>,
      tpu.vector_store_idx %arg5[%get3A_23], %broadcast_in_dim3A_9 {add = true} : memref<10240xf32, #tpu.memory_space<vmem>>[vector<16xi32>], vector<16xf32>,
      %mul3A_24 = arith.constant 128 : i32
      %mul3A_25 = arith.muli %scan3A_17, %mul3A_24 : i32
      %add3A_26 = arith.constant 16 : i32
      %add3A_27 = arith.addi %mul3A_25, %add3A_26 : i32
      %get3A_28 = arith.index_cast %add3A_27 : i32 to index
      %get3A_29 = tpu.vector_load %arg4[%get3A_28] {strides = array<i32>} : memref<10240xi32, #tpu.memory_space<vmem>>, vector<16xi32>,
      tpu.vector_store_idx %arg5[%get3A_29], %broadcast_in_dim3A_9 {add = true} : memref<10240xf32, #tpu.memory_space<vmem>>[vector<16xi32>], vector<16xf32>,
      %mul3A_30 = arith.constant 128 : i32
      %mul3A_31 = arith.muli %scan3A_17, %mul3A_30 : i32
      %add3A_32 = arith.constant 32 : i32
      %add3A_33 = arith.addi %mul3A_31, %add3A_32 : i32
      %get3A_34 = arith.index_cast %add3A_33 : i32 to index
      %get3A_35 = tpu.vector_load %arg4[%get3A_34] {strides = array<i32>} : memref<10240xi32, #tpu.memory_space<vmem>>, vector<16xi32>,
      tpu.vector_store_idx %arg5[%get3A_35], %broadcast_in_dim3A_9 {add = true} : memref<10240xf32, #tpu.memory_space<vmem>>[vector<16xi32>], vector<16xf32>,
      %mul3A_36 = arith.constant 128 : i32
      %mul3A_37 = arith.muli %scan3A_17, %mul3A_36 : i32
      %add3A_38 = arith.constant 48 : i32
      %add3A_39 = arith.addi %mul3A_37, %add3A_38 : i32
      %get3A_40 = arith.index_cast %add3A_39 : i32 to index
      %get3A_41 = tpu.vector_load %arg4[%get3A_40] {strides = array<i32>} : memref<10240xi32, #tpu.memory_space<vmem>>, vector<16xi32>,
      tpu.vector_store_idx %arg5[%get3A_41], %broadcast_in_dim3A_9 {add = true} : memref<10240xf32, #tpu.memory_space<vmem>>[vector<16xi32>], vector<16xf32>,
      %mul3A_42 = arith.constant 128 : i32
      %mul3A_43 = arith.muli %scan3A_17, %mul3A_42 : i32
      %add3A_44 = arith.constant 64 : i32
      %add3A_45 = arith.addi %mul3A_43, %add3A_44 : i32
      %get3A_46 = arith.index_cast %add3A_45 : i32 to index
      %get3A_47 = tpu.vector_load %arg4[%get3A_46] {strides = array<i32>} : memref<10240xi32, #tpu.memory_space<vmem>>, vector<16xi32>,
      tpu.vector_store_idx %arg5[%get3A_47], %broadcast_in_dim3A_9 {add = true} : memref<10240xf32, #tpu.memory_space<vmem>>[vector<16xi32>], vector<16xf32>,
      %mul3A_48 = arith.constant 128 : i32
      %mul3A_49 = arith.muli %scan3A_17, %mul3A_48 : i32
      %add3A_50 = arith.constant 80 : i32
      %add3A_51 = arith.addi %mul3A_49, %add3A_50 : i32
      %get3A_52 = arith.index_cast %add3A_51 : i32 to index
      %get3A_53 = tpu.vector_load %arg4[%get3A_52] {strides = array<i32>} : memref<10240xi32, #tpu.memory_space<vmem>>, vector<16xi32>,
      tpu.vector_store_idx %arg5[%get3A_53], %broadcast_in_dim3A_9 {add = true} : memref<10240xf32, #tpu.memory_space<vmem>>[vector<16xi32>], vector<16xf32>,
      %mul3A_54 = arith.constant 128 : i32
      %mul3A_55 = arith.muli %scan3A_17, %mul3A_54 : i32
      %add3A_56 = arith.constant 96 : i32
      %add3A_57 = arith.addi %mul3A_55, %add3A_56 : i32
      %get3A_58 = arith.index_cast %add3A_57 : i32 to index
      %get3A_59 = tpu.vector_load %arg4[%get3A_58] {strides = array<i32>} : memref<10240xi32, #tpu.memory_space<vmem>>, vector<16xi32>,
      tpu.vector_store_idx %arg5[%get3A_59], %broadcast_in_dim3A_9 {add = true} : memref<10240xf32, #tpu.memory_space<vmem>>[vector<16xi32>], vector<16xf32>,
      %mul3A_60 = arith.constant 128 : i32
      %mul3A_61 = arith.muli %scan3A_17, %mul3A_60 : i32
      %add3A_62 = arith.constant 112 : i32
      %add3A_63 = arith.addi %mul3A_61, %add3A_62 : i32
      %get3A_64 = arith.index_cast %add3A_63 : i32 to index
      %get3A_65 = tpu.vector_load %arg4[%get3A_64] {strides = array<i32>} : memref<10240xi32, #tpu.memory_space<vmem>>, vector<16xi32>,
      tpu.vector_store_idx %arg5[%get3A_65], %broadcast_in_dim3A_9 {add = true} : memref<10240xf32, #tpu.memory_space<vmem>>[vector<16xi32>], vector<16xf32>,
      %scan3A_66 = arith.constant 0 : i32
      scf.yield %scan3A_66 : i32
    }
    %scan3A_16 = arith.constant 80 : i32
    "tpu.region"() ({
      %run_scoped3A = tpu.sem_alloc : memref<!tpu.dma_semaphore, #tpu.memory_space<semaphore_mem>>
      %dma_start3A = arith.constant 0 : i32
      %dma_start3A_17 = tpu.memref_slice %arg3[%add3A, %dma_start3A] : memref<32x10240xf32, #tpu.memory_space<hbm>> -> memref<1x10240xf32, #tpu.memory_space<hbm>>
      %dma_start3A_18 = tpu.memref_squeeze %dma_start3A_17 : memref<1x10240xf32, #tpu.memory_space<hbm>> -> memref<10240xf32, #tpu.memory_space<hbm>>
      %dma_start3A_19 = arith.constant 0 : i32
      %dma_start3A_20 = tpu.memref_slice %arg3[%add3A, %dma_start3A_19] : memref<32x10240xf32, #tpu.memory_space<hbm>> -> memref<1x10240xf32, #tpu.memory_space<hbm>>
      %dma_start3A_21 = tpu.memref_squeeze %dma_start3A_20 : memref<1x10240xf32, #tpu.memory_space<hbm>> -> memref<10240xf32, #tpu.memory_space<hbm>>
      tpu.enqueue_dma source(%arg5 : memref<10240xf32, #tpu.memory_space<vmem>>) target(%dma_start3A_21 : memref<10240xf32, #tpu.memory_space<hbm>>) target_semaphore(%run_scoped3A : memref<!tpu.dma_semaphore, #tpu.memory_space<semaphore_mem>>)
      %dma_wait3A = arith.constant 0 : i32
      %dma_wait3A_22 = tpu.memref_slice %arg3[%add3A, %dma_wait3A] : memref<32x10240xf32, #tpu.memory_space<hbm>> -> memref<1x10240xf32, #tpu.memory_space<hbm>>
      %dma_wait3A_23 = tpu.memref_squeeze %dma_wait3A_22 : memref<1x10240xf32, #tpu.memory_space<hbm>> -> memref<10240xf32, #tpu.memory_space<hbm>>
      %dma_wait3A_24 = arith.constant 0 : i32
      %dma_wait3A_25 = tpu.memref_slice %arg3[%add3A, %dma_wait3A_24] : memref<32x10240xf32, #tpu.memory_space<hbm>> -> memref<1x10240xf32, #tpu.memory_space<hbm>>
      %dma_wait3A_26 = tpu.memref_squeeze %dma_wait3A_25 : memref<1x10240xf32, #tpu.memory_space<hbm>> -> memref<10240xf32, #tpu.memory_space<hbm>>
      tpu.wait_dma2 semaphore(%run_scoped3A : memref<!tpu.dma_semaphore, #tpu.memory_space<semaphore_mem>>) src(%arg5 : memref<10240xf32, #tpu.memory_space<vmem>>) dst(%dma_wait3A_26 : memref<10240xf32, #tpu.memory_space<hbm>>)
      tpu.yield
    }) : () -> ()
    return
  }
}

#map = affine_map<(d0, d1) -> (0, 0)>
#map1 = affine_map<(d0, d1) -> (0)>
#map2 = affine_map<(d0, d1) -> (0, 0, 0)>
module attributes {stable_mosaic.version = 14 : i64} {
  func.func @body(%arg0: i32, %arg1: i32, %arg2: memref<10240x128xf32, #tpu.memory_space<hbm>>, %arg3: memref<327680xi32, #tpu.memory_space<hbm>>, %arg4: memref<327680xi32, #tpu.memory_space<hbm>>, %arg5: memref<1x10240x128xf32, #tpu.memory_space<hbm>>, %arg6: memref<128xi32, #tpu.memory_space<vmem>>, %arg7: memref<128xi32, #tpu.memory_space<vmem>>, %arg8: memref<128xi32, #tpu.memory_space<vmem>>, %arg9: memref<128xi32, #tpu.memory_space<vmem>>, %arg10: memref<128x128xf32, #tpu.memory_space<vmem>>, %arg11: memref<128x128xf32, #tpu.memory_space<vmem>>, %arg12: memref<10240x128xf32, #tpu.memory_space<vmem_shared>>, %arg13: memref<2x!tpu.dma_semaphore, #tpu.memory_space<semaphore_mem>>, %arg14: memref<2x!tpu.dma_semaphore, #tpu.memory_space<semaphore_mem>>) attributes {dimension_semantics = [#tpu.dimension_semantics<core_parallel>, #tpu.dimension_semantics<subcore_parallel>], iteration_bounds = array<i64: 2, 16>, scalar_prefetch = 0 : i64, scratch_operands = 9 : i64, tpu.core_type = #tpu.core_type<sc_vector_subcore>, window_params = [{transform_indices = #map}, {transform_indices = #map1}, {transform_indices = #map1}, {transform_indices = #map2}]} {
    %eq3A = arith.constant 0 : i32
    %eq3A_0 = arith.cmpi eq, %arg0, %eq3A : i32
    %convert_element_type3A = arith.extui %eq3A_0 : i1 to i32
    %cond3A = arith.constant 0 : i32
    %cond3A_1 = arith.cmpi ne, %convert_element_type3A, %cond3A : i32
    scf.if %cond3A_1 {
      %scan3A = arith.constant 0 : i32
      %scan3A_2 = arith.constant 0 : i32
      %scan3A_3 = arith.constant 128 : i32
      %scan3A_4 = arith.addi %scan3A_2, %scan3A_3 : i32
      %scan3A_5 = arith.constant 1 : i32
      %scan3A_6 = scf.for %scan3A_76 = %scan3A_2 to %scan3A_4 step %scan3A_5 iter_args(%scan3A_77 = %scan3A) -> (i32)  : i32 {
        %broadcast_in_dim3A = arith.constant 0.000000e+00 : f32
        %broadcast_in_dim3A_78 = vector.broadcast %broadcast_in_dim3A : f32 to vector<16xf32>
        %swap3A = arith.index_cast %scan3A_76 : i32 to index
        %swap3A_79 = arith.constant 0 : index
        %swap3A_80 = tpu.vector_load %arg10[%swap3A, %swap3A_79] {strides = array<i32>} : memref<128x128xf32, #tpu.memory_space<vmem>>, vector<1x16xf32>,
        %swap3A_81 = vector.shape_cast %swap3A_80 : vector<1x16xf32> to vector<16xf32>
        %swap3A_82 = vector.shape_cast %broadcast_in_dim3A_78 : vector<16xf32> to vector<1x16xf32>
        tpu.vector_store %arg10[%swap3A, %swap3A_79], %swap3A_82 {strides = array<i32>} : memref<128x128xf32, #tpu.memory_space<vmem>>, vector<1x16xf32>,
        %broadcast_in_dim3A_83 = arith.constant 0.000000e+00 : f32
        %broadcast_in_dim3A_84 = vector.broadcast %broadcast_in_dim3A_83 : f32 to vector<16xf32>
        %swap3A_85 = arith.index_cast %scan3A_76 : i32 to index
        %swap3A_86 = arith.constant 16 : index
        %swap3A_87 = tpu.vector_load %arg10[%swap3A_85, %swap3A_86] {strides = array<i32>} : memref<128x128xf32, #tpu.memory_space<vmem>>, vector<1x16xf32>,
        %swap3A_88 = vector.shape_cast %swap3A_87 : vector<1x16xf32> to vector<16xf32>
        %swap3A_89 = vector.shape_cast %broadcast_in_dim3A_84 : vector<16xf32> to vector<1x16xf32>
        tpu.vector_store %arg10[%swap3A_85, %swap3A_86], %swap3A_89 {strides = array<i32>} : memref<128x128xf32, #tpu.memory_space<vmem>>, vector<1x16xf32>,
        %broadcast_in_dim3A_90 = arith.constant 0.000000e+00 : f32
        %broadcast_in_dim3A_91 = vector.broadcast %broadcast_in_dim3A_90 : f32 to vector<16xf32>
        %swap3A_92 = arith.index_cast %scan3A_76 : i32 to index
        %swap3A_93 = arith.constant 32 : index
        %swap3A_94 = tpu.vector_load %arg10[%swap3A_92, %swap3A_93] {strides = array<i32>} : memref<128x128xf32, #tpu.memory_space<vmem>>, vector<1x16xf32>,
        %swap3A_95 = vector.shape_cast %swap3A_94 : vector<1x16xf32> to vector<16xf32>
        %swap3A_96 = vector.shape_cast %broadcast_in_dim3A_91 : vector<16xf32> to vector<1x16xf32>
        tpu.vector_store %arg10[%swap3A_92, %swap3A_93], %swap3A_96 {strides = array<i32>} : memref<128x128xf32, #tpu.memory_space<vmem>>, vector<1x16xf32>,
        %broadcast_in_dim3A_97 = arith.constant 0.000000e+00 : f32
        %broadcast_in_dim3A_98 = vector.broadcast %broadcast_in_dim3A_97 : f32 to vector<16xf32>
        %swap3A_99 = arith.index_cast %scan3A_76 : i32 to index
        %swap3A_100 = arith.constant 48 : index
        %swap3A_101 = tpu.vector_load %arg10[%swap3A_99, %swap3A_100] {strides = array<i32>} : memref<128x128xf32, #tpu.memory_space<vmem>>, vector<1x16xf32>,
        %swap3A_102 = vector.shape_cast %swap3A_101 : vector<1x16xf32> to vector<16xf32>
        %swap3A_103 = vector.shape_cast %broadcast_in_dim3A_98 : vector<16xf32> to vector<1x16xf32>
        tpu.vector_store %arg10[%swap3A_99, %swap3A_100], %swap3A_103 {strides = array<i32>} : memref<128x128xf32, #tpu.memory_space<vmem>>, vector<1x16xf32>,
        %broadcast_in_dim3A_104 = arith.constant 0.000000e+00 : f32
        %broadcast_in_dim3A_105 = vector.broadcast %broadcast_in_dim3A_104 : f32 to vector<16xf32>
        %swap3A_106 = arith.index_cast %scan3A_76 : i32 to index
        %swap3A_107 = arith.constant 64 : index
        %swap3A_108 = tpu.vector_load %arg10[%swap3A_106, %swap3A_107] {strides = array<i32>} : memref<128x128xf32, #tpu.memory_space<vmem>>, vector<1x16xf32>,
        %swap3A_109 = vector.shape_cast %swap3A_108 : vector<1x16xf32> to vector<16xf32>
        %swap3A_110 = vector.shape_cast %broadcast_in_dim3A_105 : vector<16xf32> to vector<1x16xf32>
        tpu.vector_store %arg10[%swap3A_106, %swap3A_107], %swap3A_110 {strides = array<i32>} : memref<128x128xf32, #tpu.memory_space<vmem>>, vector<1x16xf32>,
        %broadcast_in_dim3A_111 = arith.constant 0.000000e+00 : f32
        %broadcast_in_dim3A_112 = vector.broadcast %broadcast_in_dim3A_111 : f32 to vector<16xf32>
        %swap3A_113 = arith.index_cast %scan3A_76 : i32 to index
        %swap3A_114 = arith.constant 80 : index
        %swap3A_115 = tpu.vector_load %arg10[%swap3A_113, %swap3A_114] {strides = array<i32>} : memref<128x128xf32, #tpu.memory_space<vmem>>, vector<1x16xf32>,
        %swap3A_116 = vector.shape_cast %swap3A_115 : vector<1x16xf32> to vector<16xf32>
        %swap3A_117 = vector.shape_cast %broadcast_in_dim3A_112 : vector<16xf32> to vector<1x16xf32>
        tpu.vector_store %arg10[%swap3A_113, %swap3A_114], %swap3A_117 {strides = array<i32>} : memref<128x128xf32, #tpu.memory_space<vmem>>, vector<1x16xf32>,
        %broadcast_in_dim3A_118 = arith.constant 0.000000e+00 : f32
        %broadcast_in_dim3A_119 = vector.broadcast %broadcast_in_dim3A_118 : f32 to vector<16xf32>
        %swap3A_120 = arith.index_cast %scan3A_76 : i32 to index
        %swap3A_121 = arith.constant 96 : index
        %swap3A_122 = tpu.vector_load %arg10[%swap3A_120, %swap3A_121] {strides = array<i32>} : memref<128x128xf32, #tpu.memory_space<vmem>>, vector<1x16xf32>,
        %swap3A_123 = vector.shape_cast %swap3A_122 : vector<1x16xf32> to vector<16xf32>
        %swap3A_124 = vector.shape_cast %broadcast_in_dim3A_119 : vector<16xf32> to vector<1x16xf32>
        tpu.vector_store %arg10[%swap3A_120, %swap3A_121], %swap3A_124 {strides = array<i32>} : memref<128x128xf32, #tpu.memory_space<vmem>>, vector<1x16xf32>,
        %broadcast_in_dim3A_125 = arith.constant 0.000000e+00 : f32
        %broadcast_in_dim3A_126 = vector.broadcast %broadcast_in_dim3A_125 : f32 to vector<16xf32>
        %swap3A_127 = arith.index_cast %scan3A_76 : i32 to index
        %swap3A_128 = arith.constant 112 : index
        %swap3A_129 = tpu.vector_load %arg10[%swap3A_127, %swap3A_128] {strides = array<i32>} : memref<128x128xf32, #tpu.memory_space<vmem>>, vector<1x16xf32>,
        %swap3A_130 = vector.shape_cast %swap3A_129 : vector<1x16xf32> to vector<16xf32>
        %swap3A_131 = vector.shape_cast %broadcast_in_dim3A_126 : vector<16xf32> to vector<1x16xf32>
        tpu.vector_store %arg10[%swap3A_127, %swap3A_128], %swap3A_131 {strides = array<i32>} : memref<128x128xf32, #tpu.memory_space<vmem>>, vector<1x16xf32>,
        %scan3A_132 = arith.constant 0 : i32
        scf.yield %scan3A_132 : i32
      }
      %scan3A_7 = arith.constant 128 : i32
      %mul3A = arith.constant 640 : i32
      %mul3A_8 = arith.muli %arg1, %mul3A : i32
      %add3A = arith.constant 0 : i32
      %add3A_9 = arith.addi %mul3A_8, %add3A : i32
      "tpu.region"() ({
        %run_scoped3A_76 = tpu.sem_alloc : memref<!tpu.dma_semaphore, #tpu.memory_space<semaphore_mem>>
        %dma_start3A_77 = arith.constant 0 : i32
        %dma_start3A_78 = tpu.memref_slice %arg12[%add3A_9, %dma_start3A_77] : memref<10240x128xf32, #tpu.memory_space<vmem_shared>> -> memref<128x128xf32, #tpu.memory_space<vmem_shared>>
        %dma_start3A_79 = arith.constant 0 : i32
        %dma_start3A_80 = tpu.memref_slice %arg12[%add3A_9, %dma_start3A_79] : memref<10240x128xf32, #tpu.memory_space<vmem_shared>> -> memref<128x128xf32, #tpu.memory_space<vmem_shared>>
        tpu.enqueue_dma source(%arg10 : memref<128x128xf32, #tpu.memory_space<vmem>>) target(%dma_start3A_80 : memref<128x128xf32, #tpu.memory_space<vmem_shared>>) target_semaphore(%run_scoped3A_76 : memref<!tpu.dma_semaphore, #tpu.memory_space<semaphore_mem>>)
        %dma_wait3A_81 = arith.constant 0 : i32
        %dma_wait3A_82 = tpu.memref_slice %arg12[%add3A_9, %dma_wait3A_81] : memref<10240x128xf32, #tpu.memory_space<vmem_shared>> -> memref<128x128xf32, #tpu.memory_space<vmem_shared>>
        %dma_wait3A_83 = arith.constant 0 : i32
        %dma_wait3A_84 = tpu.memref_slice %arg12[%add3A_9, %dma_wait3A_83] : memref<10240x128xf32, #tpu.memory_space<vmem_shared>> -> memref<128x128xf32, #tpu.memory_space<vmem_shared>>
        tpu.wait_dma2 semaphore(%run_scoped3A_76 : memref<!tpu.dma_semaphore, #tpu.memory_space<semaphore_mem>>) src(%arg10 : memref<128x128xf32, #tpu.memory_space<vmem>>) dst(%dma_wait3A_84 : memref<128x128xf32, #tpu.memory_space<vmem_shared>>)
        tpu.yield
      }) : () -> ()
      %mul3A_10 = arith.constant 640 : i32
      %mul3A_11 = arith.muli %arg1, %mul3A_10 : i32
      %add3A_12 = arith.constant 128 : i32
      %add3A_13 = arith.addi %mul3A_11, %add3A_12 : i32
      "tpu.region"() ({
        %run_scoped3A_76 = tpu.sem_alloc : memref<!tpu.dma_semaphore, #tpu.memory_space<semaphore_mem>>
        %dma_start3A_77 = arith.constant 0 : i32
        %dma_start3A_78 = tpu.memref_slice %arg12[%add3A_13, %dma_start3A_77] : memref<10240x128xf32, #tpu.memory_space<vmem_shared>> -> memref<128x128xf32, #tpu.memory_space<vmem_shared>>
        %dma_start3A_79 = arith.constant 0 : i32
        %dma_start3A_80 = tpu.memref_slice %arg12[%add3A_13, %dma_start3A_79] : memref<10240x128xf32, #tpu.memory_space<vmem_shared>> -> memref<128x128xf32, #tpu.memory_space<vmem_shared>>
        tpu.enqueue_dma source(%arg10 : memref<128x128xf32, #tpu.memory_space<vmem>>) target(%dma_start3A_80 : memref<128x128xf32, #tpu.memory_space<vmem_shared>>) target_semaphore(%run_scoped3A_76 : memref<!tpu.dma_semaphore, #tpu.memory_space<semaphore_mem>>)
        %dma_wait3A_81 = arith.constant 0 : i32
        %dma_wait3A_82 = tpu.memref_slice %arg12[%add3A_13, %dma_wait3A_81] : memref<10240x128xf32, #tpu.memory_space<vmem_shared>> -> memref<128x128xf32, #tpu.memory_space<vmem_shared>>
        %dma_wait3A_83 = arith.constant 0 : i32
        %dma_wait3A_84 = tpu.memref_slice %arg12[%add3A_13, %dma_wait3A_83] : memref<10240x128xf32, #tpu.memory_space<vmem_shared>> -> memref<128x128xf32, #tpu.memory_space<vmem_shared>>
        tpu.wait_dma2 semaphore(%run_scoped3A_76 : memref<!tpu.dma_semaphore, #tpu.memory_space<semaphore_mem>>) src(%arg10 : memref<128x128xf32, #tpu.memory_space<vmem>>) dst(%dma_wait3A_84 : memref<128x128xf32, #tpu.memory_space<vmem_shared>>)
        tpu.yield
      }) : () -> ()
      %mul3A_14 = arith.constant 640 : i32
      %mul3A_15 = arith.muli %arg1, %mul3A_14 : i32
      %add3A_16 = arith.constant 256 : i32
      %add3A_17 = arith.addi %mul3A_15, %add3A_16 : i32
      "tpu.region"() ({
        %run_scoped3A_76 = tpu.sem_alloc : memref<!tpu.dma_semaphore, #tpu.memory_space<semaphore_mem>>
        %dma_start3A_77 = arith.constant 0 : i32
        %dma_start3A_78 = tpu.memref_slice %arg12[%add3A_17, %dma_start3A_77] : memref<10240x128xf32, #tpu.memory_space<vmem_shared>> -> memref<128x128xf32, #tpu.memory_space<vmem_shared>>
        %dma_start3A_79 = arith.constant 0 : i32
        %dma_start3A_80 = tpu.memref_slice %arg12[%add3A_17, %dma_start3A_79] : memref<10240x128xf32, #tpu.memory_space<vmem_shared>> -> memref<128x128xf32, #tpu.memory_space<vmem_shared>>
        tpu.enqueue_dma source(%arg10 : memref<128x128xf32, #tpu.memory_space<vmem>>) target(%dma_start3A_80 : memref<128x128xf32, #tpu.memory_space<vmem_shared>>) target_semaphore(%run_scoped3A_76 : memref<!tpu.dma_semaphore, #tpu.memory_space<semaphore_mem>>)
        %dma_wait3A_81 = arith.constant 0 : i32
        %dma_wait3A_82 = tpu.memref_slice %arg12[%add3A_17, %dma_wait3A_81] : memref<10240x128xf32, #tpu.memory_space<vmem_shared>> -> memref<128x128xf32, #tpu.memory_space<vmem_shared>>
        %dma_wait3A_83 = arith.constant 0 : i32
        %dma_wait3A_84 = tpu.memref_slice %arg12[%add3A_17, %dma_wait3A_83] : memref<10240x128xf32, #tpu.memory_space<vmem_shared>> -> memref<128x128xf32, #tpu.memory_space<vmem_shared>>
        tpu.wait_dma2 semaphore(%run_scoped3A_76 : memref<!tpu.dma_semaphore, #tpu.memory_space<semaphore_mem>>) src(%arg10 : memref<128x128xf32, #tpu.memory_space<vmem>>) dst(%dma_wait3A_84 : memref<128x128xf32, #tpu.memory_space<vmem_shared>>)
        tpu.yield
      }) : () -> ()
      %mul3A_18 = arith.constant 640 : i32
      %mul3A_19 = arith.muli %arg1, %mul3A_18 : i32
      %add3A_20 = arith.constant 384 : i32
      %add3A_21 = arith.addi %mul3A_19, %add3A_20 : i32
      "tpu.region"() ({
        %run_scoped3A_76 = tpu.sem_alloc : memref<!tpu.dma_semaphore, #tpu.memory_space<semaphore_mem>>
        %dma_start3A_77 = arith.constant 0 : i32
        %dma_start3A_78 = tpu.memref_slice %arg12[%add3A_21, %dma_start3A_77] : memref<10240x128xf32, #tpu.memory_space<vmem_shared>> -> memref<128x128xf32, #tpu.memory_space<vmem_shared>>
        %dma_start3A_79 = arith.constant 0 : i32
        %dma_start3A_80 = tpu.memref_slice %arg12[%add3A_21, %dma_start3A_79] : memref<10240x128xf32, #tpu.memory_space<vmem_shared>> -> memref<128x128xf32, #tpu.memory_space<vmem_shared>>
        tpu.enqueue_dma source(%arg10 : memref<128x128xf32, #tpu.memory_space<vmem>>) target(%dma_start3A_80 : memref<128x128xf32, #tpu.memory_space<vmem_shared>>) target_semaphore(%run_scoped3A_76 : memref<!tpu.dma_semaphore, #tpu.memory_space<semaphore_mem>>)
        %dma_wait3A_81 = arith.constant 0 : i32
        %dma_wait3A_82 = tpu.memref_slice %arg12[%add3A_21, %dma_wait3A_81] : memref<10240x128xf32, #tpu.memory_space<vmem_shared>> -> memref<128x128xf32, #tpu.memory_space<vmem_shared>>
        %dma_wait3A_83 = arith.constant 0 : i32
        %dma_wait3A_84 = tpu.memref_slice %arg12[%add3A_21, %dma_wait3A_83] : memref<10240x128xf32, #tpu.memory_space<vmem_shared>> -> memref<128x128xf32, #tpu.memory_space<vmem_shared>>
        tpu.wait_dma2 semaphore(%run_scoped3A_76 : memref<!tpu.dma_semaphore, #tpu.memory_space<semaphore_mem>>) src(%arg10 : memref<128x128xf32, #tpu.memory_space<vmem>>) dst(%dma_wait3A_84 : memref<128x128xf32, #tpu.memory_space<vmem_shared>>)
        tpu.yield
      }) : () -> ()
      %mul3A_22 = arith.constant 640 : i32
      %mul3A_23 = arith.muli %arg1, %mul3A_22 : i32
      %add3A_24 = arith.constant 512 : i32
      %add3A_25 = arith.addi %mul3A_23, %add3A_24 : i32
      "tpu.region"() ({
        %run_scoped3A_76 = tpu.sem_alloc : memref<!tpu.dma_semaphore, #tpu.memory_space<semaphore_mem>>
        %dma_start3A_77 = arith.constant 0 : i32
        %dma_start3A_78 = tpu.memref_slice %arg12[%add3A_25, %dma_start3A_77] : memref<10240x128xf32, #tpu.memory_space<vmem_shared>> -> memref<128x128xf32, #tpu.memory_space<vmem_shared>>
        %dma_start3A_79 = arith.constant 0 : i32
        %dma_start3A_80 = tpu.memref_slice %arg12[%add3A_25, %dma_start3A_79] : memref<10240x128xf32, #tpu.memory_space<vmem_shared>> -> memref<128x128xf32, #tpu.memory_space<vmem_shared>>
        tpu.enqueue_dma source(%arg10 : memref<128x128xf32, #tpu.memory_space<vmem>>) target(%dma_start3A_80 : memref<128x128xf32, #tpu.memory_space<vmem_shared>>) target_semaphore(%run_scoped3A_76 : memref<!tpu.dma_semaphore, #tpu.memory_space<semaphore_mem>>)
        %dma_wait3A_81 = arith.constant 0 : i32
        %dma_wait3A_82 = tpu.memref_slice %arg12[%add3A_25, %dma_wait3A_81] : memref<10240x128xf32, #tpu.memory_space<vmem_shared>> -> memref<128x128xf32, #tpu.memory_space<vmem_shared>>
        %dma_wait3A_83 = arith.constant 0 : i32
        %dma_wait3A_84 = tpu.memref_slice %arg12[%add3A_25, %dma_wait3A_83] : memref<10240x128xf32, #tpu.memory_space<vmem_shared>> -> memref<128x128xf32, #tpu.memory_space<vmem_shared>>
        tpu.wait_dma2 semaphore(%run_scoped3A_76 : memref<!tpu.dma_semaphore, #tpu.memory_space<semaphore_mem>>) src(%arg10 : memref<128x128xf32, #tpu.memory_space<vmem>>) dst(%dma_wait3A_84 : memref<128x128xf32, #tpu.memory_space<vmem_shared>>)
        tpu.yield
      }) : () -> ()
      %barrier3A = arith.constant 0 : index
      tpu.barrier barrier_id(%barrier3A)
      %mul3A_26 = arith.constant 20480 : i32
      %mul3A_27 = arith.muli %arg1, %mul3A_26 : i32
      %add3A_28 = arith.constant 0 : i32
      %add3A_29 = arith.addi %mul3A_27, %add3A_28 : i32
      %multiple_of3A = tpu.assume_multiple %add3A_29, 128 : i32
      %dma_start3A = arith.constant 0 : i32
      %dma_start3A_30 = tpu.memref_slice %arg3[%multiple_of3A] : memref<327680xi32, #tpu.memory_space<hbm>> -> memref<128xi32, #tpu.memory_space<hbm>>
      %dma_start3A_31 = tpu.memref_slice %arg14[%dma_start3A] : memref<2x!tpu.dma_semaphore, #tpu.memory_space<semaphore_mem>> -> memref<1x!tpu.dma_semaphore, #tpu.memory_space<semaphore_mem>>
      %dma_start3A_32 = tpu.memref_squeeze %dma_start3A_31 : memref<1x!tpu.dma_semaphore, #tpu.memory_space<semaphore_mem>> -> memref<!tpu.dma_semaphore, #tpu.memory_space<semaphore_mem>>
      %dma_start3A_33 = tpu.memref_slice %arg3[%multiple_of3A] : memref<327680xi32, #tpu.memory_space<hbm>> -> memref<128xi32, #tpu.memory_space<hbm>>
      tpu.enqueue_dma source(%dma_start3A_33 : memref<128xi32, #tpu.memory_space<hbm>>) target(%arg6 : memref<128xi32, #tpu.memory_space<vmem>>) target_semaphore(%dma_start3A_32 : memref<!tpu.dma_semaphore, #tpu.memory_space<semaphore_mem>>)
      %dma_start3A_34 = arith.constant 0 : i32
      %dma_start3A_35 = tpu.memref_slice %arg4[%multiple_of3A] : memref<327680xi32, #tpu.memory_space<hbm>> -> memref<128xi32, #tpu.memory_space<hbm>>
      %dma_start3A_36 = tpu.memref_slice %arg14[%dma_start3A_34] : memref<2x!tpu.dma_semaphore, #tpu.memory_space<semaphore_mem>> -> memref<1x!tpu.dma_semaphore, #tpu.memory_space<semaphore_mem>>
      %dma_start3A_37 = tpu.memref_squeeze %dma_start3A_36 : memref<1x!tpu.dma_semaphore, #tpu.memory_space<semaphore_mem>> -> memref<!tpu.dma_semaphore, #tpu.memory_space<semaphore_mem>>
      %dma_start3A_38 = tpu.memref_slice %arg4[%multiple_of3A] : memref<327680xi32, #tpu.memory_space<hbm>> -> memref<128xi32, #tpu.memory_space<hbm>>
      tpu.enqueue_dma source(%dma_start3A_38 : memref<128xi32, #tpu.memory_space<hbm>>) target(%arg8 : memref<128xi32, #tpu.memory_space<vmem>>) target_semaphore(%dma_start3A_37 : memref<!tpu.dma_semaphore, #tpu.memory_space<semaphore_mem>>)
      %scan3A_39 = arith.constant 0 : i32
      %scan3A_40 = arith.constant 0 : i32
      %scan3A_41 = arith.constant 80 : i32
      %scan3A_42 = arith.addi %scan3A_40, %scan3A_41 : i32
      %scan3A_43 = arith.constant 1 : i32
      %scan3A_44 = scf.for %scan3A_76 = %scan3A_40 to %scan3A_42 step %scan3A_43 iter_args(%scan3A_77 = %scan3A_39) -> (i32)  : i32 {
        %mul3A_78 = arith.constant 2 : i32
        %mul3A_79 = arith.muli %mul3A_78, %scan3A_76 : i32
        %dma_wait3A_80 = arith.constant 0 : i32
        %dma_wait3A_81 = arith.constant 0 : i32
        %dma_wait3A_82 = tpu.memref_slice %arg3[%dma_wait3A_81] : memref<327680xi32, #tpu.memory_space<hbm>> -> memref<128xi32, #tpu.memory_space<hbm>>
        %dma_wait3A_83 = tpu.memref_slice %arg14[%dma_wait3A_80] : memref<2x!tpu.dma_semaphore, #tpu.memory_space<semaphore_mem>> -> memref<1x!tpu.dma_semaphore, #tpu.memory_space<semaphore_mem>>
        %dma_wait3A_84 = tpu.memref_squeeze %dma_wait3A_83 : memref<1x!tpu.dma_semaphore, #tpu.memory_space<semaphore_mem>> -> memref<!tpu.dma_semaphore, #tpu.memory_space<semaphore_mem>>
        %dma_wait3A_85 = arith.constant 0 : i32
        %dma_wait3A_86 = tpu.memref_slice %arg3[%dma_wait3A_85] : memref<327680xi32, #tpu.memory_space<hbm>> -> memref<128xi32, #tpu.memory_space<hbm>>
        tpu.wait_dma2 semaphore(%dma_wait3A_84 : memref<!tpu.dma_semaphore, #tpu.memory_space<semaphore_mem>>) src(%dma_wait3A_86 : memref<128xi32, #tpu.memory_space<hbm>>) dst(%arg6 : memref<128xi32, #tpu.memory_space<vmem>>)
        %dma_wait3A_87 = arith.constant 0 : i32
        %dma_wait3A_88 = arith.constant 0 : i32
        %dma_wait3A_89 = tpu.memref_slice %arg4[%dma_wait3A_88] : memref<327680xi32, #tpu.memory_space<hbm>> -> memref<128xi32, #tpu.memory_space<hbm>>
        %dma_wait3A_90 = tpu.memref_slice %arg14[%dma_wait3A_87] : memref<2x!tpu.dma_semaphore, #tpu.memory_space<semaphore_mem>> -> memref<1x!tpu.dma_semaphore, #tpu.memory_space<semaphore_mem>>
        %dma_wait3A_91 = tpu.memref_squeeze %dma_wait3A_90 : memref<1x!tpu.dma_semaphore, #tpu.memory_space<semaphore_mem>> -> memref<!tpu.dma_semaphore, #tpu.memory_space<semaphore_mem>>
        %dma_wait3A_92 = arith.constant 0 : i32
        %dma_wait3A_93 = tpu.memref_slice %arg4[%dma_wait3A_92] : memref<327680xi32, #tpu.memory_space<hbm>> -> memref<128xi32, #tpu.memory_space<hbm>>
        tpu.wait_dma2 semaphore(%dma_wait3A_91 : memref<!tpu.dma_semaphore, #tpu.memory_space<semaphore_mem>>) src(%dma_wait3A_93 : memref<128xi32, #tpu.memory_space<hbm>>) dst(%arg8 : memref<128xi32, #tpu.memory_space<vmem>>)
        %dma_start3A_94 = arith.constant 0 : i32
        %dma_start3A_95 = arith.constant 0 : i32
        %dma_start3A_96 = arith.constant 0 : i32
        %dma_start3A_97 = tpu.memref_slice %arg2[%dma_start3A_95, %dma_start3A_96] : memref<10240x128xf32, #tpu.memory_space<hbm>> -> memref<10240x128xf32, #tpu.memory_space<hbm>>
        %dma_start3A_98 = tpu.memref_slice %arg13[%dma_start3A_94] : memref<2x!tpu.dma_semaphore, #tpu.memory_space<semaphore_mem>> -> memref<1x!tpu.dma_semaphore, #tpu.memory_space<semaphore_mem>>
        %dma_start3A_99 = tpu.memref_squeeze %dma_start3A_98 : memref<1x!tpu.dma_semaphore, #tpu.memory_space<semaphore_mem>> -> memref<!tpu.dma_semaphore, #tpu.memory_space<semaphore_mem>>
        tpu.enqueue_indirect_dma source(%dma_start3A_97 : memref<10240x128xf32, #tpu.memory_space<hbm>>) target(%arg10 : memref<128x128xf32, #tpu.memory_space<vmem>>) offsets(%arg6 : memref<128xi32, #tpu.memory_space<vmem>>) semaphore(%dma_start3A_99 : memref<!tpu.dma_semaphore, #tpu.memory_space<semaphore_mem>>)
        %gt3A = arith.constant 0 : i32
        %gt3A_100 = arith.cmpi sgt, %scan3A_76, %gt3A : i32
        %convert_element_type3A_101 = arith.extui %gt3A_100 : i1 to i32
        %cond3A_102 = arith.constant 0 : i32
        %cond3A_103 = arith.cmpi ne, %convert_element_type3A_101, %cond3A_102 : i32
        scf.if %cond3A_103 {
          %dma_wait3A_151 = arith.constant 1 : i32
          %dma_wait3A_152 = arith.constant 0 : i32
          %dma_wait3A_153 = arith.constant 0 : i32
          %dma_wait3A_154 = tpu.memref_slice %arg2[%dma_wait3A_152, %dma_wait3A_153] : memref<10240x128xf32, #tpu.memory_space<hbm>> -> memref<10240x128xf32, #tpu.memory_space<hbm>>
          %dma_wait3A_155 = tpu.memref_slice %arg13[%dma_wait3A_151] : memref<2x!tpu.dma_semaphore, #tpu.memory_space<semaphore_mem>> -> memref<1x!tpu.dma_semaphore, #tpu.memory_space<semaphore_mem>>
          %dma_wait3A_156 = tpu.memref_squeeze %dma_wait3A_155 : memref<1x!tpu.dma_semaphore, #tpu.memory_space<semaphore_mem>> -> memref<!tpu.dma_semaphore, #tpu.memory_space<semaphore_mem>>
          tpu.wait_indirect_dma semaphore(%dma_wait3A_156 : memref<!tpu.dma_semaphore, #tpu.memory_space<semaphore_mem>>) src(%dma_wait3A_154 : memref<10240x128xf32, #tpu.memory_space<hbm>>) dst(%arg11 : memref<128x128xf32, #tpu.memory_space<vmem>>)
          "tpu.region"() ({
            %run_scoped3A_157 = tpu.sem_alloc : memref<!tpu.dma_semaphore, #tpu.memory_space<semaphore_mem>>
            %dma_start3A_158 = arith.constant 0 : i32
            %dma_start3A_159 = arith.constant 0 : i32
            %dma_start3A_160 = tpu.memref_slice %arg12[%dma_start3A_158, %dma_start3A_159] : memref<10240x128xf32, #tpu.memory_space<vmem_shared>> -> memref<10240x128xf32, #tpu.memory_space<vmem_shared>>
            tpu.enqueue_indirect_dma source(%arg11 : memref<128x128xf32, #tpu.memory_space<vmem>>) target(%dma_start3A_160 : memref<10240x128xf32, #tpu.memory_space<vmem_shared>>) offsets(%arg9 : memref<128xi32, #tpu.memory_space<vmem>>) semaphore(%run_scoped3A_157 : memref<!tpu.dma_semaphore, #tpu.memory_space<semaphore_mem>>) {add = true}
            %dma_wait3A_161 = arith.constant 0 : i32
            %dma_wait3A_162 = arith.constant 0 : i32
            %dma_wait3A_163 = tpu.memref_slice %arg12[%dma_wait3A_161, %dma_wait3A_162] : memref<10240x128xf32, #tpu.memory_space<vmem_shared>> -> memref<10240x128xf32, #tpu.memory_space<vmem_shared>>
            tpu.wait_indirect_dma semaphore(%run_scoped3A_157 : memref<!tpu.dma_semaphore, #tpu.memory_space<semaphore_mem>>) src(%arg11 : memref<128x128xf32, #tpu.memory_space<vmem>>) dst(%dma_wait3A_163 : memref<10240x128xf32, #tpu.memory_space<vmem_shared>>)
            tpu.yield
          }) : () -> ()
        } else {
        }
        %add3A_104 = arith.constant 1 : i32
        %add3A_105 = arith.addi %mul3A_79, %add3A_104 : i32
        %mul3A_106 = arith.constant 128 : i32
        %mul3A_107 = arith.muli %add3A_105, %mul3A_106 : i32
        %add3A_108 = arith.addi %mul3A_27, %mul3A_107 : i32
        %multiple_of3A_109 = tpu.assume_multiple %add3A_108, 128 : i32
        %dma_start3A_110 = arith.constant 1 : i32
        %dma_start3A_111 = tpu.memref_slice %arg3[%multiple_of3A_109] : memref<327680xi32, #tpu.memory_space<hbm>> -> memref<128xi32, #tpu.memory_space<hbm>>
        %dma_start3A_112 = tpu.memref_slice %arg14[%dma_start3A_110] : memref<2x!tpu.dma_semaphore, #tpu.memory_space<semaphore_mem>> -> memref<1x!tpu.dma_semaphore, #tpu.memory_space<semaphore_mem>>
        %dma_start3A_113 = tpu.memref_squeeze %dma_start3A_112 : memref<1x!tpu.dma_semaphore, #tpu.memory_space<semaphore_mem>> -> memref<!tpu.dma_semaphore, #tpu.memory_space<semaphore_mem>>
        %dma_start3A_114 = tpu.memref_slice %arg3[%multiple_of3A_109] : memref<327680xi32, #tpu.memory_space<hbm>> -> memref<128xi32, #tpu.memory_space<hbm>>
        tpu.enqueue_dma source(%dma_start3A_114 : memref<128xi32, #tpu.memory_space<hbm>>) target(%arg7 : memref<128xi32, #tpu.memory_space<vmem>>) target_semaphore(%dma_start3A_113 : memref<!tpu.dma_semaphore, #tpu.memory_space<semaphore_mem>>)
        %dma_start3A_115 = arith.constant 1 : i32
        %dma_start3A_116 = tpu.memref_slice %arg4[%multiple_of3A_109] : memref<327680xi32, #tpu.memory_space<hbm>> -> memref<128xi32, #tpu.memory_space<hbm>>
        %dma_start3A_117 = tpu.memref_slice %arg14[%dma_start3A_115] : memref<2x!tpu.dma_semaphore, #tpu.memory_space<semaphore_mem>> -> memref<1x!tpu.dma_semaphore, #tpu.memory_space<semaphore_mem>>
        %dma_start3A_118 = tpu.memref_squeeze %dma_start3A_117 : memref<1x!tpu.dma_semaphore, #tpu.memory_space<semaphore_mem>> -> memref<!tpu.dma_semaphore, #tpu.memory_space<semaphore_mem>>
        %dma_start3A_119 = tpu.memref_slice %arg4[%multiple_of3A_109] : memref<327680xi32, #tpu.memory_space<hbm>> -> memref<128xi32, #tpu.memory_space<hbm>>
        tpu.enqueue_dma source(%dma_start3A_119 : memref<128xi32, #tpu.memory_space<hbm>>) target(%arg9 : memref<128xi32, #tpu.memory_space<vmem>>) target_semaphore(%dma_start3A_118 : memref<!tpu.dma_semaphore, #tpu.memory_space<semaphore_mem>>)
        %dma_wait3A_120 = arith.constant 1 : i32
        %dma_wait3A_121 = arith.constant 0 : i32
        %dma_wait3A_122 = tpu.memref_slice %arg3[%dma_wait3A_121] : memref<327680xi32, #tpu.memory_space<hbm>> -> memref<128xi32, #tpu.memory_space<hbm>>
        %dma_wait3A_123 = tpu.memref_slice %arg14[%dma_wait3A_120] : memref<2x!tpu.dma_semaphore, #tpu.memory_space<semaphore_mem>> -> memref<1x!tpu.dma_semaphore, #tpu.memory_space<semaphore_mem>>
        %dma_wait3A_124 = tpu.memref_squeeze %dma_wait3A_123 : memref<1x!tpu.dma_semaphore, #tpu.memory_space<semaphore_mem>> -> memref<!tpu.dma_semaphore, #tpu.memory_space<semaphore_mem>>
        %dma_wait3A_125 = arith.constant 0 : i32
        %dma_wait3A_126 = tpu.memref_slice %arg3[%dma_wait3A_125] : memref<327680xi32, #tpu.memory_space<hbm>> -> memref<128xi32, #tpu.memory_space<hbm>>
        tpu.wait_dma2 semaphore(%dma_wait3A_124 : memref<!tpu.dma_semaphore, #tpu.memory_space<semaphore_mem>>) src(%dma_wait3A_126 : memref<128xi32, #tpu.memory_space<hbm>>) dst(%arg7 : memref<128xi32, #tpu.memory_space<vmem>>)
        %dma_wait3A_127 = arith.constant 1 : i32
        %dma_wait3A_128 = arith.constant 0 : i32
        %dma_wait3A_129 = tpu.memref_slice %arg4[%dma_wait3A_128] : memref<327680xi32, #tpu.memory_space<hbm>> -> memref<128xi32, #tpu.memory_space<hbm>>
        %dma_wait3A_130 = tpu.memref_slice %arg14[%dma_wait3A_127] : memref<2x!tpu.dma_semaphore, #tpu.memory_space<semaphore_mem>> -> memref<1x!tpu.dma_semaphore, #tpu.memory_space<semaphore_mem>>
        %dma_wait3A_131 = tpu.memref_squeeze %dma_wait3A_130 : memref<1x!tpu.dma_semaphore, #tpu.memory_space<semaphore_mem>> -> memref<!tpu.dma_semaphore, #tpu.memory_space<semaphore_mem>>
        %dma_wait3A_132 = arith.constant 0 : i32
        %dma_wait3A_133 = tpu.memref_slice %arg4[%dma_wait3A_132] : memref<327680xi32, #tpu.memory_space<hbm>> -> memref<128xi32, #tpu.memory_space<hbm>>
        tpu.wait_dma2 semaphore(%dma_wait3A_131 : memref<!tpu.dma_semaphore, #tpu.memory_space<semaphore_mem>>) src(%dma_wait3A_133 : memref<128xi32, #tpu.memory_space<hbm>>) dst(%arg9 : memref<128xi32, #tpu.memory_space<vmem>>)
        %dma_start3A_134 = arith.constant 1 : i32
        %dma_start3A_135 = arith.constant 0 : i32
        %dma_start3A_136 = arith.constant 0 : i32
        %dma_start3A_137 = tpu.memref_slice %arg2[%dma_start3A_135, %dma_start3A_136] : memref<10240x128xf32, #tpu.memory_space<hbm>> -> memref<10240x128xf32, #tpu.memory_space<hbm>>
        %dma_start3A_138 = tpu.memref_slice %arg13[%dma_start3A_134] : memref<2x!tpu.dma_semaphore, #tpu.memory_space<semaphore_mem>> -> memref<1x!tpu.dma_semaphore, #tpu.memory_space<semaphore_mem>>
        %dma_start3A_139 = tpu.memref_squeeze %dma_start3A_138 : memref<1x!tpu.dma_semaphore, #tpu.memory_space<semaphore_mem>> -> memref<!tpu.dma_semaphore, #tpu.memory_space<semaphore_mem>>
        tpu.enqueue_indirect_dma source(%dma_start3A_137 : memref<10240x128xf32, #tpu.memory_space<hbm>>) target(%arg11 : memref<128x128xf32, #tpu.memory_space<vmem>>) offsets(%arg7 : memref<128xi32, #tpu.memory_space<vmem>>) semaphore(%dma_start3A_139 : memref<!tpu.dma_semaphore, #tpu.memory_space<semaphore_mem>>)
        %dma_wait3A_140 = arith.constant 0 : i32
        %dma_wait3A_141 = arith.constant 0 : i32
        %dma_wait3A_142 = arith.constant 0 : i32
        %dma_wait3A_143 = tpu.memref_slice %arg2[%dma_wait3A_141, %dma_wait3A_142] : memref<10240x128xf32, #tpu.memory_space<hbm>> -> memref<10240x128xf32, #tpu.memory_space<hbm>>
        %dma_wait3A_144 = tpu.memref_slice %arg13[%dma_wait3A_140] : memref<2x!tpu.dma_semaphore, #tpu.memory_space<semaphore_mem>> -> memref<1x!tpu.dma_semaphore, #tpu.memory_space<semaphore_mem>>
        %dma_wait3A_145 = tpu.memref_squeeze %dma_wait3A_144 : memref<1x!tpu.dma_semaphore, #tpu.memory_space<semaphore_mem>> -> memref<!tpu.dma_semaphore, #tpu.memory_space<semaphore_mem>>
        tpu.wait_indirect_dma semaphore(%dma_wait3A_145 : memref<!tpu.dma_semaphore, #tpu.memory_space<semaphore_mem>>) src(%dma_wait3A_143 : memref<10240x128xf32, #tpu.memory_space<hbm>>) dst(%arg10 : memref<128x128xf32, #tpu.memory_space<vmem>>)
        "tpu.region"() ({
          %run_scoped3A_151 = tpu.sem_alloc : memref<!tpu.dma_semaphore, #tpu.memory_space<semaphore_mem>>
          %dma_start3A_152 = arith.constant 0 : i32
          %dma_start3A_153 = arith.constant 0 : i32
          %dma_start3A_154 = tpu.memref_slice %arg12[%dma_start3A_152, %dma_start3A_153] : memref<10240x128xf32, #tpu.memory_space<vmem_shared>> -> memref<10240x128xf32, #tpu.memory_space<vmem_shared>>
          tpu.enqueue_indirect_dma source(%arg10 : memref<128x128xf32, #tpu.memory_space<vmem>>) target(%dma_start3A_154 : memref<10240x128xf32, #tpu.memory_space<vmem_shared>>) offsets(%arg8 : memref<128xi32, #tpu.memory_space<vmem>>) semaphore(%run_scoped3A_151 : memref<!tpu.dma_semaphore, #tpu.memory_space<semaphore_mem>>) {add = true}
          %dma_wait3A_155 = arith.constant 0 : i32
          %dma_wait3A_156 = arith.constant 0 : i32
          %dma_wait3A_157 = tpu.memref_slice %arg12[%dma_wait3A_155, %dma_wait3A_156] : memref<10240x128xf32, #tpu.memory_space<vmem_shared>> -> memref<10240x128xf32, #tpu.memory_space<vmem_shared>>
          tpu.wait_indirect_dma semaphore(%run_scoped3A_151 : memref<!tpu.dma_semaphore, #tpu.memory_space<semaphore_mem>>) src(%arg10 : memref<128x128xf32, #tpu.memory_space<vmem>>) dst(%dma_wait3A_157 : memref<10240x128xf32, #tpu.memory_space<vmem_shared>>)
          tpu.yield
        }) : () -> ()
        %lt3A = arith.constant 79 : i32
        %lt3A_146 = arith.cmpi slt, %scan3A_76, %lt3A : i32
        %convert_element_type3A_147 = arith.extui %lt3A_146 : i1 to i32
        %cond3A_148 = arith.constant 0 : i32
        %cond3A_149 = arith.cmpi ne, %convert_element_type3A_147, %cond3A_148 : i32
        scf.if %cond3A_149 {
          %add3A_151 = arith.constant 2 : i32
          %add3A_152 = arith.addi %mul3A_79, %add3A_151 : i32
          %mul3A_153 = arith.constant 128 : i32
          %mul3A_154 = arith.muli %add3A_152, %mul3A_153 : i32
          %add3A_155 = arith.addi %mul3A_27, %mul3A_154 : i32
          %multiple_of3A_156 = tpu.assume_multiple %add3A_155, 128 : i32
          %dma_start3A_157 = arith.constant 0 : i32
          %dma_start3A_158 = tpu.memref_slice %arg3[%multiple_of3A_156] : memref<327680xi32, #tpu.memory_space<hbm>> -> memref<128xi32, #tpu.memory_space<hbm>>
          %dma_start3A_159 = tpu.memref_slice %arg14[%dma_start3A_157] : memref<2x!tpu.dma_semaphore, #tpu.memory_space<semaphore_mem>> -> memref<1x!tpu.dma_semaphore, #tpu.memory_space<semaphore_mem>>
          %dma_start3A_160 = tpu.memref_squeeze %dma_start3A_159 : memref<1x!tpu.dma_semaphore, #tpu.memory_space<semaphore_mem>> -> memref<!tpu.dma_semaphore, #tpu.memory_space<semaphore_mem>>
          %dma_start3A_161 = tpu.memref_slice %arg3[%multiple_of3A_156] : memref<327680xi32, #tpu.memory_space<hbm>> -> memref<128xi32, #tpu.memory_space<hbm>>
          tpu.enqueue_dma source(%dma_start3A_161 : memref<128xi32, #tpu.memory_space<hbm>>) target(%arg6 : memref<128xi32, #tpu.memory_space<vmem>>) target_semaphore(%dma_start3A_160 : memref<!tpu.dma_semaphore, #tpu.memory_space<semaphore_mem>>)
          %dma_start3A_162 = arith.constant 0 : i32
          %dma_start3A_163 = tpu.memref_slice %arg4[%multiple_of3A_156] : memref<327680xi32, #tpu.memory_space<hbm>> -> memref<128xi32, #tpu.memory_space<hbm>>
          %dma_start3A_164 = tpu.memref_slice %arg14[%dma_start3A_162] : memref<2x!tpu.dma_semaphore, #tpu.memory_space<semaphore_mem>> -> memref<1x!tpu.dma_semaphore, #tpu.memory_space<semaphore_mem>>
          %dma_start3A_165 = tpu.memref_squeeze %dma_start3A_164 : memref<1x!tpu.dma_semaphore, #tpu.memory_space<semaphore_mem>> -> memref<!tpu.dma_semaphore, #tpu.memory_space<semaphore_mem>>
          %dma_start3A_166 = tpu.memref_slice %arg4[%multiple_of3A_156] : memref<327680xi32, #tpu.memory_space<hbm>> -> memref<128xi32, #tpu.memory_space<hbm>>
          tpu.enqueue_dma source(%dma_start3A_166 : memref<128xi32, #tpu.memory_space<hbm>>) target(%arg8 : memref<128xi32, #tpu.memory_space<vmem>>) target_semaphore(%dma_start3A_165 : memref<!tpu.dma_semaphore, #tpu.memory_space<semaphore_mem>>)
        } else {
        }
        %scan3A_150 = arith.constant 0 : i32
        scf.yield %scan3A_150 : i32
      }
      %scan3A_45 = arith.constant 80 : i32
      %dma_wait3A = arith.constant 1 : i32
      %dma_wait3A_46 = arith.constant 0 : i32
      %dma_wait3A_47 = arith.constant 0 : i32
      %dma_wait3A_48 = tpu.memref_slice %arg2[%dma_wait3A_46, %dma_wait3A_47] : memref<10240x128xf32, #tpu.memory_space<hbm>> -> memref<10240x128xf32, #tpu.memory_space<hbm>>
      %dma_wait3A_49 = tpu.memref_slice %arg13[%dma_wait3A] : memref<2x!tpu.dma_semaphore, #tpu.memory_space<semaphore_mem>> -> memref<1x!tpu.dma_semaphore, #tpu.memory_space<semaphore_mem>>
      %dma_wait3A_50 = tpu.memref_squeeze %dma_wait3A_49 : memref<1x!tpu.dma_semaphore, #tpu.memory_space<semaphore_mem>> -> memref<!tpu.dma_semaphore, #tpu.memory_space<semaphore_mem>>
      tpu.wait_indirect_dma semaphore(%dma_wait3A_50 : memref<!tpu.dma_semaphore, #tpu.memory_space<semaphore_mem>>) src(%dma_wait3A_48 : memref<10240x128xf32, #tpu.memory_space<hbm>>) dst(%arg11 : memref<128x128xf32, #tpu.memory_space<vmem>>)
      "tpu.region"() ({
        %run_scoped3A_76 = tpu.sem_alloc : memref<!tpu.dma_semaphore, #tpu.memory_space<semaphore_mem>>
        %dma_start3A_77 = arith.constant 0 : i32
        %dma_start3A_78 = arith.constant 0 : i32
        %dma_start3A_79 = tpu.memref_slice %arg12[%dma_start3A_77, %dma_start3A_78] : memref<10240x128xf32, #tpu.memory_space<vmem_shared>> -> memref<10240x128xf32, #tpu.memory_space<vmem_shared>>
        tpu.enqueue_indirect_dma source(%arg11 : memref<128x128xf32, #tpu.memory_space<vmem>>) target(%dma_start3A_79 : memref<10240x128xf32, #tpu.memory_space<vmem_shared>>) offsets(%arg9 : memref<128xi32, #tpu.memory_space<vmem>>) semaphore(%run_scoped3A_76 : memref<!tpu.dma_semaphore, #tpu.memory_space<semaphore_mem>>) {add = true}
        %dma_wait3A_80 = arith.constant 0 : i32
        %dma_wait3A_81 = arith.constant 0 : i32
        %dma_wait3A_82 = tpu.memref_slice %arg12[%dma_wait3A_80, %dma_wait3A_81] : memref<10240x128xf32, #tpu.memory_space<vmem_shared>> -> memref<10240x128xf32, #tpu.memory_space<vmem_shared>>
        tpu.wait_indirect_dma semaphore(%run_scoped3A_76 : memref<!tpu.dma_semaphore, #tpu.memory_space<semaphore_mem>>) src(%arg11 : memref<128x128xf32, #tpu.memory_space<vmem>>) dst(%dma_wait3A_82 : memref<10240x128xf32, #tpu.memory_space<vmem_shared>>)
        tpu.yield
      }) : () -> ()
      %barrier3A_51 = arith.constant 0 : index
      tpu.barrier barrier_id(%barrier3A_51)
      %mul3A_52 = arith.constant 640 : i32
      %mul3A_53 = arith.muli %arg1, %mul3A_52 : i32
      %add3A_54 = arith.constant 0 : i32
      %add3A_55 = arith.addi %mul3A_53, %add3A_54 : i32
      %run_scoped3A = arith.constant 0 : i32
      "tpu.region"() ({
        %run_scoped3A_76 = tpu.sem_alloc : memref<!tpu.dma_semaphore, #tpu.memory_space<semaphore_mem>>
        %dma_start3A_77 = arith.constant 0 : i32
        %dma_start3A_78 = tpu.memref_slice %arg5[%run_scoped3A, %add3A_55, %dma_start3A_77] : memref<1x10240x128xf32, #tpu.memory_space<hbm>> -> memref<1x128x128xf32, #tpu.memory_space<hbm>>
        %dma_start3A_79 = tpu.memref_squeeze %dma_start3A_78 : memref<1x128x128xf32, #tpu.memory_space<hbm>> -> memref<128x128xf32, #tpu.memory_space<hbm>>
        %dma_start3A_80 = arith.constant 0 : i32
        %dma_start3A_81 = tpu.memref_slice %arg12[%add3A_55, %dma_start3A_80] : memref<10240x128xf32, #tpu.memory_space<vmem_shared>> -> memref<128x128xf32, #tpu.memory_space<vmem_shared>>
        tpu.enqueue_dma source(%dma_start3A_81 : memref<128x128xf32, #tpu.memory_space<vmem_shared>>) target(%dma_start3A_79 : memref<128x128xf32, #tpu.memory_space<hbm>>) target_semaphore(%run_scoped3A_76 : memref<!tpu.dma_semaphore, #tpu.memory_space<semaphore_mem>>)
        %dma_wait3A_82 = arith.constant 0 : i32
        %dma_wait3A_83 = tpu.memref_slice %arg5[%run_scoped3A, %add3A_55, %dma_wait3A_82] : memref<1x10240x128xf32, #tpu.memory_space<hbm>> -> memref<1x128x128xf32, #tpu.memory_space<hbm>>
        %dma_wait3A_84 = tpu.memref_squeeze %dma_wait3A_83 : memref<1x128x128xf32, #tpu.memory_space<hbm>> -> memref<128x128xf32, #tpu.memory_space<hbm>>
        %dma_wait3A_85 = arith.constant 0 : i32
        %dma_wait3A_86 = tpu.memref_slice %arg12[%add3A_55, %dma_wait3A_85] : memref<10240x128xf32, #tpu.memory_space<vmem_shared>> -> memref<128x128xf32, #tpu.memory_space<vmem_shared>>
        tpu.wait_dma2 semaphore(%run_scoped3A_76 : memref<!tpu.dma_semaphore, #tpu.memory_space<semaphore_mem>>) src(%dma_wait3A_86 : memref<128x128xf32, #tpu.memory_space<vmem_shared>>) dst(%dma_wait3A_84 : memref<128x128xf32, #tpu.memory_space<hbm>>)
        tpu.yield
      }) : () -> ()
      %mul3A_56 = arith.constant 640 : i32
      %mul3A_57 = arith.muli %arg1, %mul3A_56 : i32
      %add3A_58 = arith.constant 128 : i32
      %add3A_59 = arith.addi %mul3A_57, %add3A_58 : i32
      %run_scoped3A_60 = arith.constant 0 : i32
      "tpu.region"() ({
        %run_scoped3A_76 = tpu.sem_alloc : memref<!tpu.dma_semaphore, #tpu.memory_space<semaphore_mem>>
        %dma_start3A_77 = arith.constant 0 : i32
        %dma_start3A_78 = tpu.memref_slice %arg5[%run_scoped3A_60, %add3A_59, %dma_start3A_77] : memref<1x10240x128xf32, #tpu.memory_space<hbm>> -> memref<1x128x128xf32, #tpu.memory_space<hbm>>
        %dma_start3A_79 = tpu.memref_squeeze %dma_start3A_78 : memref<1x128x128xf32, #tpu.memory_space<hbm>> -> memref<128x128xf32, #tpu.memory_space<hbm>>
        %dma_start3A_80 = arith.constant 0 : i32
        %dma_start3A_81 = tpu.memref_slice %arg12[%add3A_59, %dma_start3A_80] : memref<10240x128xf32, #tpu.memory_space<vmem_shared>> -> memref<128x128xf32, #tpu.memory_space<vmem_shared>>
        tpu.enqueue_dma source(%dma_start3A_81 : memref<128x128xf32, #tpu.memory_space<vmem_shared>>) target(%dma_start3A_79 : memref<128x128xf32, #tpu.memory_space<hbm>>) target_semaphore(%run_scoped3A_76 : memref<!tpu.dma_semaphore, #tpu.memory_space<semaphore_mem>>)
        %dma_wait3A_82 = arith.constant 0 : i32
        %dma_wait3A_83 = tpu.memref_slice %arg5[%run_scoped3A_60, %add3A_59, %dma_wait3A_82] : memref<1x10240x128xf32, #tpu.memory_space<hbm>> -> memref<1x128x128xf32, #tpu.memory_space<hbm>>
        %dma_wait3A_84 = tpu.memref_squeeze %dma_wait3A_83 : memref<1x128x128xf32, #tpu.memory_space<hbm>> -> memref<128x128xf32, #tpu.memory_space<hbm>>
        %dma_wait3A_85 = arith.constant 0 : i32
        %dma_wait3A_86 = tpu.memref_slice %arg12[%add3A_59, %dma_wait3A_85] : memref<10240x128xf32, #tpu.memory_space<vmem_shared>> -> memref<128x128xf32, #tpu.memory_space<vmem_shared>>
        tpu.wait_dma2 semaphore(%run_scoped3A_76 : memref<!tpu.dma_semaphore, #tpu.memory_space<semaphore_mem>>) src(%dma_wait3A_86 : memref<128x128xf32, #tpu.memory_space<vmem_shared>>) dst(%dma_wait3A_84 : memref<128x128xf32, #tpu.memory_space<hbm>>)
        tpu.yield
      }) : () -> ()
      %mul3A_61 = arith.constant 640 : i32
      %mul3A_62 = arith.muli %arg1, %mul3A_61 : i32
      %add3A_63 = arith.constant 256 : i32
      %add3A_64 = arith.addi %mul3A_62, %add3A_63 : i32
      %run_scoped3A_65 = arith.constant 0 : i32
      "tpu.region"() ({
        %run_scoped3A_76 = tpu.sem_alloc : memref<!tpu.dma_semaphore, #tpu.memory_space<semaphore_mem>>
        %dma_start3A_77 = arith.constant 0 : i32
        %dma_start3A_78 = tpu.memref_slice %arg5[%run_scoped3A_65, %add3A_64, %dma_start3A_77] : memref<1x10240x128xf32, #tpu.memory_space<hbm>> -> memref<1x128x128xf32, #tpu.memory_space<hbm>>
        %dma_start3A_79 = tpu.memref_squeeze %dma_start3A_78 : memref<1x128x128xf32, #tpu.memory_space<hbm>> -> memref<128x128xf32, #tpu.memory_space<hbm>>
        %dma_start3A_80 = arith.constant 0 : i32
        %dma_start3A_81 = tpu.memref_slice %arg12[%add3A_64, %dma_start3A_80] : memref<10240x128xf32, #tpu.memory_space<vmem_shared>> -> memref<128x128xf32, #tpu.memory_space<vmem_shared>>
        tpu.enqueue_dma source(%dma_start3A_81 : memref<128x128xf32, #tpu.memory_space<vmem_shared>>) target(%dma_start3A_79 : memref<128x128xf32, #tpu.memory_space<hbm>>) target_semaphore(%run_scoped3A_76 : memref<!tpu.dma_semaphore, #tpu.memory_space<semaphore_mem>>)
        %dma_wait3A_82 = arith.constant 0 : i32
        %dma_wait3A_83 = tpu.memref_slice %arg5[%run_scoped3A_65, %add3A_64, %dma_wait3A_82] : memref<1x10240x128xf32, #tpu.memory_space<hbm>> -> memref<1x128x128xf32, #tpu.memory_space<hbm>>
        %dma_wait3A_84 = tpu.memref_squeeze %dma_wait3A_83 : memref<1x128x128xf32, #tpu.memory_space<hbm>> -> memref<128x128xf32, #tpu.memory_space<hbm>>
        %dma_wait3A_85 = arith.constant 0 : i32
        %dma_wait3A_86 = tpu.memref_slice %arg12[%add3A_64, %dma_wait3A_85] : memref<10240x128xf32, #tpu.memory_space<vmem_shared>> -> memref<128x128xf32, #tpu.memory_space<vmem_shared>>
        tpu.wait_dma2 semaphore(%run_scoped3A_76 : memref<!tpu.dma_semaphore, #tpu.memory_space<semaphore_mem>>) src(%dma_wait3A_86 : memref<128x128xf32, #tpu.memory_space<vmem_shared>>) dst(%dma_wait3A_84 : memref<128x128xf32, #tpu.memory_space<hbm>>)
        tpu.yield
      }) : () -> ()
      %mul3A_66 = arith.constant 640 : i32
      %mul3A_67 = arith.muli %arg1, %mul3A_66 : i32
      %add3A_68 = arith.constant 384 : i32
      %add3A_69 = arith.addi %mul3A_67, %add3A_68 : i32
      %run_scoped3A_70 = arith.constant 0 : i32
      "tpu.region"() ({
        %run_scoped3A_76 = tpu.sem_alloc : memref<!tpu.dma_semaphore, #tpu.memory_space<semaphore_mem>>
        %dma_start3A_77 = arith.constant 0 : i32
        %dma_start3A_78 = tpu.memref_slice %arg5[%run_scoped3A_70, %add3A_69, %dma_start3A_77] : memref<1x10240x128xf32, #tpu.memory_space<hbm>> -> memref<1x128x128xf32, #tpu.memory_space<hbm>>
        %dma_start3A_79 = tpu.memref_squeeze %dma_start3A_78 : memref<1x128x128xf32, #tpu.memory_space<hbm>> -> memref<128x128xf32, #tpu.memory_space<hbm>>
        %dma_start3A_80 = arith.constant 0 : i32
        %dma_start3A_81 = tpu.memref_slice %arg12[%add3A_69, %dma_start3A_80] : memref<10240x128xf32, #tpu.memory_space<vmem_shared>> -> memref<128x128xf32, #tpu.memory_space<vmem_shared>>
        tpu.enqueue_dma source(%dma_start3A_81 : memref<128x128xf32, #tpu.memory_space<vmem_shared>>) target(%dma_start3A_79 : memref<128x128xf32, #tpu.memory_space<hbm>>) target_semaphore(%run_scoped3A_76 : memref<!tpu.dma_semaphore, #tpu.memory_space<semaphore_mem>>)
        %dma_wait3A_82 = arith.constant 0 : i32
        %dma_wait3A_83 = tpu.memref_slice %arg5[%run_scoped3A_70, %add3A_69, %dma_wait3A_82] : memref<1x10240x128xf32, #tpu.memory_space<hbm>> -> memref<1x128x128xf32, #tpu.memory_space<hbm>>
        %dma_wait3A_84 = tpu.memref_squeeze %dma_wait3A_83 : memref<1x128x128xf32, #tpu.memory_space<hbm>> -> memref<128x128xf32, #tpu.memory_space<hbm>>
        %dma_wait3A_85 = arith.constant 0 : i32
        %dma_wait3A_86 = tpu.memref_slice %arg12[%add3A_69, %dma_wait3A_85] : memref<10240x128xf32, #tpu.memory_space<vmem_shared>> -> memref<128x128xf32, #tpu.memory_space<vmem_shared>>
        tpu.wait_dma2 semaphore(%run_scoped3A_76 : memref<!tpu.dma_semaphore, #tpu.memory_space<semaphore_mem>>) src(%dma_wait3A_86 : memref<128x128xf32, #tpu.memory_space<vmem_shared>>) dst(%dma_wait3A_84 : memref<128x128xf32, #tpu.memory_space<hbm>>)
        tpu.yield
      }) : () -> ()
      %mul3A_71 = arith.constant 640 : i32
      %mul3A_72 = arith.muli %arg1, %mul3A_71 : i32
      %add3A_73 = arith.constant 512 : i32
      %add3A_74 = arith.addi %mul3A_72, %add3A_73 : i32
      %run_scoped3A_75 = arith.constant 0 : i32
      "tpu.region"() ({
        %run_scoped3A_76 = tpu.sem_alloc : memref<!tpu.dma_semaphore, #tpu.memory_space<semaphore_mem>>
        %dma_start3A_77 = arith.constant 0 : i32
        %dma_start3A_78 = tpu.memref_slice %arg5[%run_scoped3A_75, %add3A_74, %dma_start3A_77] : memref<1x10240x128xf32, #tpu.memory_space<hbm>> -> memref<1x128x128xf32, #tpu.memory_space<hbm>>
        %dma_start3A_79 = tpu.memref_squeeze %dma_start3A_78 : memref<1x128x128xf32, #tpu.memory_space<hbm>> -> memref<128x128xf32, #tpu.memory_space<hbm>>
        %dma_start3A_80 = arith.constant 0 : i32
        %dma_start3A_81 = tpu.memref_slice %arg12[%add3A_74, %dma_start3A_80] : memref<10240x128xf32, #tpu.memory_space<vmem_shared>> -> memref<128x128xf32, #tpu.memory_space<vmem_shared>>
        tpu.enqueue_dma source(%dma_start3A_81 : memref<128x128xf32, #tpu.memory_space<vmem_shared>>) target(%dma_start3A_79 : memref<128x128xf32, #tpu.memory_space<hbm>>) target_semaphore(%run_scoped3A_76 : memref<!tpu.dma_semaphore, #tpu.memory_space<semaphore_mem>>)
        %dma_wait3A_82 = arith.constant 0 : i32
        %dma_wait3A_83 = tpu.memref_slice %arg5[%run_scoped3A_75, %add3A_74, %dma_wait3A_82] : memref<1x10240x128xf32, #tpu.memory_space<hbm>> -> memref<1x128x128xf32, #tpu.memory_space<hbm>>
        %dma_wait3A_84 = tpu.memref_squeeze %dma_wait3A_83 : memref<1x128x128xf32, #tpu.memory_space<hbm>> -> memref<128x128xf32, #tpu.memory_space<hbm>>
        %dma_wait3A_85 = arith.constant 0 : i32
        %dma_wait3A_86 = tpu.memref_slice %arg12[%add3A_74, %dma_wait3A_85] : memref<10240x128xf32, #tpu.memory_space<vmem_shared>> -> memref<128x128xf32, #tpu.memory_space<vmem_shared>>
        tpu.wait_dma2 semaphore(%run_scoped3A_76 : memref<!tpu.dma_semaphore, #tpu.memory_space<semaphore_mem>>) src(%dma_wait3A_86 : memref<128x128xf32, #tpu.memory_space<vmem_shared>>) dst(%dma_wait3A_84 : memref<128x128xf32, #tpu.memory_space<hbm>>)
        tpu.yield
      }) : () -> ()
    } else {
    }
    return
  }
}

#map = affine_map<(d0, d1) -> (0, 0)>
#map1 = affine_map<(d0, d1) -> (0)>
#map2 = affine_map<(d0, d1) -> (0, 0, 0)>
module attributes {stable_mosaic.version = 14 : i64} {
  func.func @body(%arg0: i32, %arg1: i32, %arg2: memref<10240x64xf32, #tpu.memory_space<hbm>>, %arg3: memref<327680xi32, #tpu.memory_space<hbm>>, %arg4: memref<327680xi32, #tpu.memory_space<hbm>>, %arg5: memref<1x10240x64xf32, #tpu.memory_space<hbm>>, %arg6: memref<128xi32, #tpu.memory_space<vmem>>, %arg7: memref<128xi32, #tpu.memory_space<vmem>>, %arg8: memref<128xi32, #tpu.memory_space<vmem>>, %arg9: memref<128xi32, #tpu.memory_space<vmem>>, %arg10: memref<128x64xf32, #tpu.memory_space<vmem>>, %arg11: memref<128x64xf32, #tpu.memory_space<vmem>>, %arg12: memref<10240x64xf32, #tpu.memory_space<vmem_shared>>, %arg13: memref<2x!tpu.dma_semaphore, #tpu.memory_space<semaphore_mem>>, %arg14: memref<2x!tpu.dma_semaphore, #tpu.memory_space<semaphore_mem>>) attributes {dimension_semantics = [#tpu.dimension_semantics<core_parallel>, #tpu.dimension_semantics<subcore_parallel>], iteration_bounds = array<i64: 2, 16>, scalar_prefetch = 0 : i64, scratch_operands = 9 : i64, tpu.core_type = #tpu.core_type<sc_vector_subcore>, window_params = [{transform_indices = #map}, {transform_indices = #map1}, {transform_indices = #map1}, {transform_indices = #map2}]} {
    %eq3A = arith.constant 0 : i32
    %eq3A_0 = arith.cmpi eq, %arg0, %eq3A : i32
    %convert_element_type3A = arith.extui %eq3A_0 : i1 to i32
    %cond3A = arith.constant 0 : i32
    %cond3A_1 = arith.cmpi ne, %convert_element_type3A, %cond3A : i32
    scf.if %cond3A_1 {
      %scan3A = arith.constant 0 : i32
      %scan3A_2 = arith.constant 0 : i32
      %scan3A_3 = arith.constant 128 : i32
      %scan3A_4 = arith.addi %scan3A_2, %scan3A_3 : i32
      %scan3A_5 = arith.constant 1 : i32
      %scan3A_6 = scf.for %scan3A_76 = %scan3A_2 to %scan3A_4 step %scan3A_5 iter_args(%scan3A_77 = %scan3A) -> (i32)  : i32 {
        %broadcast_in_dim3A = arith.constant 0.000000e+00 : f32
        %broadcast_in_dim3A_78 = vector.broadcast %broadcast_in_dim3A : f32 to vector<16xf32>
        %swap3A = arith.index_cast %scan3A_76 : i32 to index
        %swap3A_79 = arith.constant 0 : index
        %swap3A_80 = tpu.vector_load %arg10[%swap3A, %swap3A_79] {strides = array<i32>} : memref<128x64xf32, #tpu.memory_space<vmem>>, vector<1x16xf32>,
        %swap3A_81 = vector.shape_cast %swap3A_80 : vector<1x16xf32> to vector<16xf32>
        %swap3A_82 = vector.shape_cast %broadcast_in_dim3A_78 : vector<16xf32> to vector<1x16xf32>
        tpu.vector_store %arg10[%swap3A, %swap3A_79], %swap3A_82 {strides = array<i32>} : memref<128x64xf32, #tpu.memory_space<vmem>>, vector<1x16xf32>,
        %broadcast_in_dim3A_83 = arith.constant 0.000000e+00 : f32
        %broadcast_in_dim3A_84 = vector.broadcast %broadcast_in_dim3A_83 : f32 to vector<16xf32>
        %swap3A_85 = arith.index_cast %scan3A_76 : i32 to index
        %swap3A_86 = arith.constant 16 : index
        %swap3A_87 = tpu.vector_load %arg10[%swap3A_85, %swap3A_86] {strides = array<i32>} : memref<128x64xf32, #tpu.memory_space<vmem>>, vector<1x16xf32>,
        %swap3A_88 = vector.shape_cast %swap3A_87 : vector<1x16xf32> to vector<16xf32>
        %swap3A_89 = vector.shape_cast %broadcast_in_dim3A_84 : vector<16xf32> to vector<1x16xf32>
        tpu.vector_store %arg10[%swap3A_85, %swap3A_86], %swap3A_89 {strides = array<i32>} : memref<128x64xf32, #tpu.memory_space<vmem>>, vector<1x16xf32>,
        %broadcast_in_dim3A_90 = arith.constant 0.000000e+00 : f32
        %broadcast_in_dim3A_91 = vector.broadcast %broadcast_in_dim3A_90 : f32 to vector<16xf32>
        %swap3A_92 = arith.index_cast %scan3A_76 : i32 to index
        %swap3A_93 = arith.constant 32 : index
        %swap3A_94 = tpu.vector_load %arg10[%swap3A_92, %swap3A_93] {strides = array<i32>} : memref<128x64xf32, #tpu.memory_space<vmem>>, vector<1x16xf32>,
        %swap3A_95 = vector.shape_cast %swap3A_94 : vector<1x16xf32> to vector<16xf32>
        %swap3A_96 = vector.shape_cast %broadcast_in_dim3A_91 : vector<16xf32> to vector<1x16xf32>
        tpu.vector_store %arg10[%swap3A_92, %swap3A_93], %swap3A_96 {strides = array<i32>} : memref<128x64xf32, #tpu.memory_space<vmem>>, vector<1x16xf32>,
        %broadcast_in_dim3A_97 = arith.constant 0.000000e+00 : f32
        %broadcast_in_dim3A_98 = vector.broadcast %broadcast_in_dim3A_97 : f32 to vector<16xf32>
        %swap3A_99 = arith.index_cast %scan3A_76 : i32 to index
        %swap3A_100 = arith.constant 48 : index
        %swap3A_101 = tpu.vector_load %arg10[%swap3A_99, %swap3A_100] {strides = array<i32>} : memref<128x64xf32, #tpu.memory_space<vmem>>, vector<1x16xf32>,
        %swap3A_102 = vector.shape_cast %swap3A_101 : vector<1x16xf32> to vector<16xf32>
        %swap3A_103 = vector.shape_cast %broadcast_in_dim3A_98 : vector<16xf32> to vector<1x16xf32>
        tpu.vector_store %arg10[%swap3A_99, %swap3A_100], %swap3A_103 {strides = array<i32>} : memref<128x64xf32, #tpu.memory_space<vmem>>, vector<1x16xf32>,
        %scan3A_104 = arith.constant 0 : i32
        scf.yield %scan3A_104 : i32
      }
      %scan3A_7 = arith.constant 128 : i32
      %mul3A = arith.constant 640 : i32
      %mul3A_8 = arith.muli %arg1, %mul3A : i32
      %add3A = arith.constant 0 : i32
      %add3A_9 = arith.addi %mul3A_8, %add3A : i32
      "tpu.region"() ({
        %run_scoped3A_76 = tpu.sem_alloc : memref<!tpu.dma_semaphore, #tpu.memory_space<semaphore_mem>>
        %dma_start3A_77 = arith.constant 0 : i32
        %dma_start3A_78 = tpu.memref_slice %arg12[%add3A_9, %dma_start3A_77] : memref<10240x64xf32, #tpu.memory_space<vmem_shared>> -> memref<128x64xf32, #tpu.memory_space<vmem_shared>>
        %dma_start3A_79 = arith.constant 0 : i32
        %dma_start3A_80 = tpu.memref_slice %arg12[%add3A_9, %dma_start3A_79] : memref<10240x64xf32, #tpu.memory_space<vmem_shared>> -> memref<128x64xf32, #tpu.memory_space<vmem_shared>>
        tpu.enqueue_dma source(%arg10 : memref<128x64xf32, #tpu.memory_space<vmem>>) target(%dma_start3A_80 : memref<128x64xf32, #tpu.memory_space<vmem_shared>>) target_semaphore(%run_scoped3A_76 : memref<!tpu.dma_semaphore, #tpu.memory_space<semaphore_mem>>)
        %dma_wait3A_81 = arith.constant 0 : i32
        %dma_wait3A_82 = tpu.memref_slice %arg12[%add3A_9, %dma_wait3A_81] : memref<10240x64xf32, #tpu.memory_space<vmem_shared>> -> memref<128x64xf32, #tpu.memory_space<vmem_shared>>
        %dma_wait3A_83 = arith.constant 0 : i32
        %dma_wait3A_84 = tpu.memref_slice %arg12[%add3A_9, %dma_wait3A_83] : memref<10240x64xf32, #tpu.memory_space<vmem_shared>> -> memref<128x64xf32, #tpu.memory_space<vmem_shared>>
        tpu.wait_dma2 semaphore(%run_scoped3A_76 : memref<!tpu.dma_semaphore, #tpu.memory_space<semaphore_mem>>) src(%arg10 : memref<128x64xf32, #tpu.memory_space<vmem>>) dst(%dma_wait3A_84 : memref<128x64xf32, #tpu.memory_space<vmem_shared>>)
        tpu.yield
      }) : () -> ()
      %mul3A_10 = arith.constant 640 : i32
      %mul3A_11 = arith.muli %arg1, %mul3A_10 : i32
      %add3A_12 = arith.constant 128 : i32
      %add3A_13 = arith.addi %mul3A_11, %add3A_12 : i32
      "tpu.region"() ({
        %run_scoped3A_76 = tpu.sem_alloc : memref<!tpu.dma_semaphore, #tpu.memory_space<semaphore_mem>>
        %dma_start3A_77 = arith.constant 0 : i32
        %dma_start3A_78 = tpu.memref_slice %arg12[%add3A_13, %dma_start3A_77] : memref<10240x64xf32, #tpu.memory_space<vmem_shared>> -> memref<128x64xf32, #tpu.memory_space<vmem_shared>>
        %dma_start3A_79 = arith.constant 0 : i32
        %dma_start3A_80 = tpu.memref_slice %arg12[%add3A_13, %dma_start3A_79] : memref<10240x64xf32, #tpu.memory_space<vmem_shared>> -> memref<128x64xf32, #tpu.memory_space<vmem_shared>>
        tpu.enqueue_dma source(%arg10 : memref<128x64xf32, #tpu.memory_space<vmem>>) target(%dma_start3A_80 : memref<128x64xf32, #tpu.memory_space<vmem_shared>>) target_semaphore(%run_scoped3A_76 : memref<!tpu.dma_semaphore, #tpu.memory_space<semaphore_mem>>)
        %dma_wait3A_81 = arith.constant 0 : i32
        %dma_wait3A_82 = tpu.memref_slice %arg12[%add3A_13, %dma_wait3A_81] : memref<10240x64xf32, #tpu.memory_space<vmem_shared>> -> memref<128x64xf32, #tpu.memory_space<vmem_shared>>
        %dma_wait3A_83 = arith.constant 0 : i32
        %dma_wait3A_84 = tpu.memref_slice %arg12[%add3A_13, %dma_wait3A_83] : memref<10240x64xf32, #tpu.memory_space<vmem_shared>> -> memref<128x64xf32, #tpu.memory_space<vmem_shared>>
        tpu.wait_dma2 semaphore(%run_scoped3A_76 : memref<!tpu.dma_semaphore, #tpu.memory_space<semaphore_mem>>) src(%arg10 : memref<128x64xf32, #tpu.memory_space<vmem>>) dst(%dma_wait3A_84 : memref<128x64xf32, #tpu.memory_space<vmem_shared>>)
        tpu.yield
      }) : () -> ()
      %mul3A_14 = arith.constant 640 : i32
      %mul3A_15 = arith.muli %arg1, %mul3A_14 : i32
      %add3A_16 = arith.constant 256 : i32
      %add3A_17 = arith.addi %mul3A_15, %add3A_16 : i32
      "tpu.region"() ({
        %run_scoped3A_76 = tpu.sem_alloc : memref<!tpu.dma_semaphore, #tpu.memory_space<semaphore_mem>>
        %dma_start3A_77 = arith.constant 0 : i32
        %dma_start3A_78 = tpu.memref_slice %arg12[%add3A_17, %dma_start3A_77] : memref<10240x64xf32, #tpu.memory_space<vmem_shared>> -> memref<128x64xf32, #tpu.memory_space<vmem_shared>>
        %dma_start3A_79 = arith.constant 0 : i32
        %dma_start3A_80 = tpu.memref_slice %arg12[%add3A_17, %dma_start3A_79] : memref<10240x64xf32, #tpu.memory_space<vmem_shared>> -> memref<128x64xf32, #tpu.memory_space<vmem_shared>>
        tpu.enqueue_dma source(%arg10 : memref<128x64xf32, #tpu.memory_space<vmem>>) target(%dma_start3A_80 : memref<128x64xf32, #tpu.memory_space<vmem_shared>>) target_semaphore(%run_scoped3A_76 : memref<!tpu.dma_semaphore, #tpu.memory_space<semaphore_mem>>)
        %dma_wait3A_81 = arith.constant 0 : i32
        %dma_wait3A_82 = tpu.memref_slice %arg12[%add3A_17, %dma_wait3A_81] : memref<10240x64xf32, #tpu.memory_space<vmem_shared>> -> memref<128x64xf32, #tpu.memory_space<vmem_shared>>
        %dma_wait3A_83 = arith.constant 0 : i32
        %dma_wait3A_84 = tpu.memref_slice %arg12[%add3A_17, %dma_wait3A_83] : memref<10240x64xf32, #tpu.memory_space<vmem_shared>> -> memref<128x64xf32, #tpu.memory_space<vmem_shared>>
        tpu.wait_dma2 semaphore(%run_scoped3A_76 : memref<!tpu.dma_semaphore, #tpu.memory_space<semaphore_mem>>) src(%arg10 : memref<128x64xf32, #tpu.memory_space<vmem>>) dst(%dma_wait3A_84 : memref<128x64xf32, #tpu.memory_space<vmem_shared>>)
        tpu.yield
      }) : () -> ()
      %mul3A_18 = arith.constant 640 : i32
      %mul3A_19 = arith.muli %arg1, %mul3A_18 : i32
      %add3A_20 = arith.constant 384 : i32
      %add3A_21 = arith.addi %mul3A_19, %add3A_20 : i32
      "tpu.region"() ({
        %run_scoped3A_76 = tpu.sem_alloc : memref<!tpu.dma_semaphore, #tpu.memory_space<semaphore_mem>>
        %dma_start3A_77 = arith.constant 0 : i32
        %dma_start3A_78 = tpu.memref_slice %arg12[%add3A_21, %dma_start3A_77] : memref<10240x64xf32, #tpu.memory_space<vmem_shared>> -> memref<128x64xf32, #tpu.memory_space<vmem_shared>>
        %dma_start3A_79 = arith.constant 0 : i32
        %dma_start3A_80 = tpu.memref_slice %arg12[%add3A_21, %dma_start3A_79] : memref<10240x64xf32, #tpu.memory_space<vmem_shared>> -> memref<128x64xf32, #tpu.memory_space<vmem_shared>>
        tpu.enqueue_dma source(%arg10 : memref<128x64xf32, #tpu.memory_space<vmem>>) target(%dma_start3A_80 : memref<128x64xf32, #tpu.memory_space<vmem_shared>>) target_semaphore(%run_scoped3A_76 : memref<!tpu.dma_semaphore, #tpu.memory_space<semaphore_mem>>)
        %dma_wait3A_81 = arith.constant 0 : i32
        %dma_wait3A_82 = tpu.memref_slice %arg12[%add3A_21, %dma_wait3A_81] : memref<10240x64xf32, #tpu.memory_space<vmem_shared>> -> memref<128x64xf32, #tpu.memory_space<vmem_shared>>
        %dma_wait3A_83 = arith.constant 0 : i32
        %dma_wait3A_84 = tpu.memref_slice %arg12[%add3A_21, %dma_wait3A_83] : memref<10240x64xf32, #tpu.memory_space<vmem_shared>> -> memref<128x64xf32, #tpu.memory_space<vmem_shared>>
        tpu.wait_dma2 semaphore(%run_scoped3A_76 : memref<!tpu.dma_semaphore, #tpu.memory_space<semaphore_mem>>) src(%arg10 : memref<128x64xf32, #tpu.memory_space<vmem>>) dst(%dma_wait3A_84 : memref<128x64xf32, #tpu.memory_space<vmem_shared>>)
        tpu.yield
      }) : () -> ()
      %mul3A_22 = arith.constant 640 : i32
      %mul3A_23 = arith.muli %arg1, %mul3A_22 : i32
      %add3A_24 = arith.constant 512 : i32
      %add3A_25 = arith.addi %mul3A_23, %add3A_24 : i32
      "tpu.region"() ({
        %run_scoped3A_76 = tpu.sem_alloc : memref<!tpu.dma_semaphore, #tpu.memory_space<semaphore_mem>>
        %dma_start3A_77 = arith.constant 0 : i32
        %dma_start3A_78 = tpu.memref_slice %arg12[%add3A_25, %dma_start3A_77] : memref<10240x64xf32, #tpu.memory_space<vmem_shared>> -> memref<128x64xf32, #tpu.memory_space<vmem_shared>>
        %dma_start3A_79 = arith.constant 0 : i32
        %dma_start3A_80 = tpu.memref_slice %arg12[%add3A_25, %dma_start3A_79] : memref<10240x64xf32, #tpu.memory_space<vmem_shared>> -> memref<128x64xf32, #tpu.memory_space<vmem_shared>>
        tpu.enqueue_dma source(%arg10 : memref<128x64xf32, #tpu.memory_space<vmem>>) target(%dma_start3A_80 : memref<128x64xf32, #tpu.memory_space<vmem_shared>>) target_semaphore(%run_scoped3A_76 : memref<!tpu.dma_semaphore, #tpu.memory_space<semaphore_mem>>)
        %dma_wait3A_81 = arith.constant 0 : i32
        %dma_wait3A_82 = tpu.memref_slice %arg12[%add3A_25, %dma_wait3A_81] : memref<10240x64xf32, #tpu.memory_space<vmem_shared>> -> memref<128x64xf32, #tpu.memory_space<vmem_shared>>
        %dma_wait3A_83 = arith.constant 0 : i32
        %dma_wait3A_84 = tpu.memref_slice %arg12[%add3A_25, %dma_wait3A_83] : memref<10240x64xf32, #tpu.memory_space<vmem_shared>> -> memref<128x64xf32, #tpu.memory_space<vmem_shared>>
        tpu.wait_dma2 semaphore(%run_scoped3A_76 : memref<!tpu.dma_semaphore, #tpu.memory_space<semaphore_mem>>) src(%arg10 : memref<128x64xf32, #tpu.memory_space<vmem>>) dst(%dma_wait3A_84 : memref<128x64xf32, #tpu.memory_space<vmem_shared>>)
        tpu.yield
      }) : () -> ()
      %barrier3A = arith.constant 0 : index
      tpu.barrier barrier_id(%barrier3A)
      %mul3A_26 = arith.constant 20480 : i32
      %mul3A_27 = arith.muli %arg1, %mul3A_26 : i32
      %add3A_28 = arith.constant 0 : i32
      %add3A_29 = arith.addi %mul3A_27, %add3A_28 : i32
      %multiple_of3A = tpu.assume_multiple %add3A_29, 128 : i32
      %dma_start3A = arith.constant 0 : i32
      %dma_start3A_30 = tpu.memref_slice %arg3[%multiple_of3A] : memref<327680xi32, #tpu.memory_space<hbm>> -> memref<128xi32, #tpu.memory_space<hbm>>
      %dma_start3A_31 = tpu.memref_slice %arg14[%dma_start3A] : memref<2x!tpu.dma_semaphore, #tpu.memory_space<semaphore_mem>> -> memref<1x!tpu.dma_semaphore, #tpu.memory_space<semaphore_mem>>
      %dma_start3A_32 = tpu.memref_squeeze %dma_start3A_31 : memref<1x!tpu.dma_semaphore, #tpu.memory_space<semaphore_mem>> -> memref<!tpu.dma_semaphore, #tpu.memory_space<semaphore_mem>>
      %dma_start3A_33 = tpu.memref_slice %arg3[%multiple_of3A] : memref<327680xi32, #tpu.memory_space<hbm>> -> memref<128xi32, #tpu.memory_space<hbm>>
      tpu.enqueue_dma source(%dma_start3A_33 : memref<128xi32, #tpu.memory_space<hbm>>) target(%arg6 : memref<128xi32, #tpu.memory_space<vmem>>) target_semaphore(%dma_start3A_32 : memref<!tpu.dma_semaphore, #tpu.memory_space<semaphore_mem>>)
      %dma_start3A_34 = arith.constant 0 : i32
      %dma_start3A_35 = tpu.memref_slice %arg4[%multiple_of3A] : memref<327680xi32, #tpu.memory_space<hbm>> -> memref<128xi32, #tpu.memory_space<hbm>>
      %dma_start3A_36 = tpu.memref_slice %arg14[%dma_start3A_34] : memref<2x!tpu.dma_semaphore, #tpu.memory_space<semaphore_mem>> -> memref<1x!tpu.dma_semaphore, #tpu.memory_space<semaphore_mem>>
      %dma_start3A_37 = tpu.memref_squeeze %dma_start3A_36 : memref<1x!tpu.dma_semaphore, #tpu.memory_space<semaphore_mem>> -> memref<!tpu.dma_semaphore, #tpu.memory_space<semaphore_mem>>
      %dma_start3A_38 = tpu.memref_slice %arg4[%multiple_of3A] : memref<327680xi32, #tpu.memory_space<hbm>> -> memref<128xi32, #tpu.memory_space<hbm>>
      tpu.enqueue_dma source(%dma_start3A_38 : memref<128xi32, #tpu.memory_space<hbm>>) target(%arg8 : memref<128xi32, #tpu.memory_space<vmem>>) target_semaphore(%dma_start3A_37 : memref<!tpu.dma_semaphore, #tpu.memory_space<semaphore_mem>>)
      %scan3A_39 = arith.constant 0 : i32
      %scan3A_40 = arith.constant 0 : i32
      %scan3A_41 = arith.constant 80 : i32
      %scan3A_42 = arith.addi %scan3A_40, %scan3A_41 : i32
      %scan3A_43 = arith.constant 1 : i32
      %scan3A_44 = scf.for %scan3A_76 = %scan3A_40 to %scan3A_42 step %scan3A_43 iter_args(%scan3A_77 = %scan3A_39) -> (i32)  : i32 {
        %mul3A_78 = arith.constant 2 : i32
        %mul3A_79 = arith.muli %mul3A_78, %scan3A_76 : i32
        %dma_wait3A_80 = arith.constant 0 : i32
        %dma_wait3A_81 = arith.constant 0 : i32
        %dma_wait3A_82 = tpu.memref_slice %arg3[%dma_wait3A_81] : memref<327680xi32, #tpu.memory_space<hbm>> -> memref<128xi32, #tpu.memory_space<hbm>>
        %dma_wait3A_83 = tpu.memref_slice %arg14[%dma_wait3A_80] : memref<2x!tpu.dma_semaphore, #tpu.memory_space<semaphore_mem>> -> memref<1x!tpu.dma_semaphore, #tpu.memory_space<semaphore_mem>>
        %dma_wait3A_84 = tpu.memref_squeeze %dma_wait3A_83 : memref<1x!tpu.dma_semaphore, #tpu.memory_space<semaphore_mem>> -> memref<!tpu.dma_semaphore, #tpu.memory_space<semaphore_mem>>
        %dma_wait3A_85 = arith.constant 0 : i32
        %dma_wait3A_86 = tpu.memref_slice %arg3[%dma_wait3A_85] : memref<327680xi32, #tpu.memory_space<hbm>> -> memref<128xi32, #tpu.memory_space<hbm>>
        tpu.wait_dma2 semaphore(%dma_wait3A_84 : memref<!tpu.dma_semaphore, #tpu.memory_space<semaphore_mem>>) src(%dma_wait3A_86 : memref<128xi32, #tpu.memory_space<hbm>>) dst(%arg6 : memref<128xi32, #tpu.memory_space<vmem>>)
        %dma_wait3A_87 = arith.constant 0 : i32
        %dma_wait3A_88 = arith.constant 0 : i32
        %dma_wait3A_89 = tpu.memref_slice %arg4[%dma_wait3A_88] : memref<327680xi32, #tpu.memory_space<hbm>> -> memref<128xi32, #tpu.memory_space<hbm>>
        %dma_wait3A_90 = tpu.memref_slice %arg14[%dma_wait3A_87] : memref<2x!tpu.dma_semaphore, #tpu.memory_space<semaphore_mem>> -> memref<1x!tpu.dma_semaphore, #tpu.memory_space<semaphore_mem>>
        %dma_wait3A_91 = tpu.memref_squeeze %dma_wait3A_90 : memref<1x!tpu.dma_semaphore, #tpu.memory_space<semaphore_mem>> -> memref<!tpu.dma_semaphore, #tpu.memory_space<semaphore_mem>>
        %dma_wait3A_92 = arith.constant 0 : i32
        %dma_wait3A_93 = tpu.memref_slice %arg4[%dma_wait3A_92] : memref<327680xi32, #tpu.memory_space<hbm>> -> memref<128xi32, #tpu.memory_space<hbm>>
        tpu.wait_dma2 semaphore(%dma_wait3A_91 : memref<!tpu.dma_semaphore, #tpu.memory_space<semaphore_mem>>) src(%dma_wait3A_93 : memref<128xi32, #tpu.memory_space<hbm>>) dst(%arg8 : memref<128xi32, #tpu.memory_space<vmem>>)
        %dma_start3A_94 = arith.constant 0 : i32
        %dma_start3A_95 = arith.constant 0 : i32
        %dma_start3A_96 = arith.constant 0 : i32
        %dma_start3A_97 = tpu.memref_slice %arg2[%dma_start3A_95, %dma_start3A_96] : memref<10240x64xf32, #tpu.memory_space<hbm>> -> memref<10240x64xf32, #tpu.memory_space<hbm>>
        %dma_start3A_98 = tpu.memref_slice %arg13[%dma_start3A_94] : memref<2x!tpu.dma_semaphore, #tpu.memory_space<semaphore_mem>> -> memref<1x!tpu.dma_semaphore, #tpu.memory_space<semaphore_mem>>
        %dma_start3A_99 = tpu.memref_squeeze %dma_start3A_98 : memref<1x!tpu.dma_semaphore, #tpu.memory_space<semaphore_mem>> -> memref<!tpu.dma_semaphore, #tpu.memory_space<semaphore_mem>>
        tpu.enqueue_indirect_dma source(%dma_start3A_97 : memref<10240x64xf32, #tpu.memory_space<hbm>>) target(%arg10 : memref<128x64xf32, #tpu.memory_space<vmem>>) offsets(%arg6 : memref<128xi32, #tpu.memory_space<vmem>>) semaphore(%dma_start3A_99 : memref<!tpu.dma_semaphore, #tpu.memory_space<semaphore_mem>>)
        %gt3A = arith.constant 0 : i32
        %gt3A_100 = arith.cmpi sgt, %scan3A_76, %gt3A : i32
        %convert_element_type3A_101 = arith.extui %gt3A_100 : i1 to i32
        %cond3A_102 = arith.constant 0 : i32
        %cond3A_103 = arith.cmpi ne, %convert_element_type3A_101, %cond3A_102 : i32
        scf.if %cond3A_103 {
          %dma_wait3A_151 = arith.constant 1 : i32
          %dma_wait3A_152 = arith.constant 0 : i32
          %dma_wait3A_153 = arith.constant 0 : i32
          %dma_wait3A_154 = tpu.memref_slice %arg2[%dma_wait3A_152, %dma_wait3A_153] : memref<10240x64xf32, #tpu.memory_space<hbm>> -> memref<10240x64xf32, #tpu.memory_space<hbm>>
          %dma_wait3A_155 = tpu.memref_slice %arg13[%dma_wait3A_151] : memref<2x!tpu.dma_semaphore, #tpu.memory_space<semaphore_mem>> -> memref<1x!tpu.dma_semaphore, #tpu.memory_space<semaphore_mem>>
          %dma_wait3A_156 = tpu.memref_squeeze %dma_wait3A_155 : memref<1x!tpu.dma_semaphore, #tpu.memory_space<semaphore_mem>> -> memref<!tpu.dma_semaphore, #tpu.memory_space<semaphore_mem>>
          tpu.wait_indirect_dma semaphore(%dma_wait3A_156 : memref<!tpu.dma_semaphore, #tpu.memory_space<semaphore_mem>>) src(%dma_wait3A_154 : memref<10240x64xf32, #tpu.memory_space<hbm>>) dst(%arg11 : memref<128x64xf32, #tpu.memory_space<vmem>>)
          "tpu.region"() ({
            %run_scoped3A_157 = tpu.sem_alloc : memref<!tpu.dma_semaphore, #tpu.memory_space<semaphore_mem>>
            %dma_start3A_158 = arith.constant 0 : i32
            %dma_start3A_159 = arith.constant 0 : i32
            %dma_start3A_160 = tpu.memref_slice %arg12[%dma_start3A_158, %dma_start3A_159] : memref<10240x64xf32, #tpu.memory_space<vmem_shared>> -> memref<10240x64xf32, #tpu.memory_space<vmem_shared>>
            tpu.enqueue_indirect_dma source(%arg11 : memref<128x64xf32, #tpu.memory_space<vmem>>) target(%dma_start3A_160 : memref<10240x64xf32, #tpu.memory_space<vmem_shared>>) offsets(%arg9 : memref<128xi32, #tpu.memory_space<vmem>>) semaphore(%run_scoped3A_157 : memref<!tpu.dma_semaphore, #tpu.memory_space<semaphore_mem>>) {add = true}
            %dma_wait3A_161 = arith.constant 0 : i32
            %dma_wait3A_162 = arith.constant 0 : i32
            %dma_wait3A_163 = tpu.memref_slice %arg12[%dma_wait3A_161, %dma_wait3A_162] : memref<10240x64xf32, #tpu.memory_space<vmem_shared>> -> memref<10240x64xf32, #tpu.memory_space<vmem_shared>>
            tpu.wait_indirect_dma semaphore(%run_scoped3A_157 : memref<!tpu.dma_semaphore, #tpu.memory_space<semaphore_mem>>) src(%arg11 : memref<128x64xf32, #tpu.memory_space<vmem>>) dst(%dma_wait3A_163 : memref<10240x64xf32, #tpu.memory_space<vmem_shared>>)
            tpu.yield
          }) : () -> ()
        } else {
        }
        %add3A_104 = arith.constant 1 : i32
        %add3A_105 = arith.addi %mul3A_79, %add3A_104 : i32
        %mul3A_106 = arith.constant 128 : i32
        %mul3A_107 = arith.muli %add3A_105, %mul3A_106 : i32
        %add3A_108 = arith.addi %mul3A_27, %mul3A_107 : i32
        %multiple_of3A_109 = tpu.assume_multiple %add3A_108, 128 : i32
        %dma_start3A_110 = arith.constant 1 : i32
        %dma_start3A_111 = tpu.memref_slice %arg3[%multiple_of3A_109] : memref<327680xi32, #tpu.memory_space<hbm>> -> memref<128xi32, #tpu.memory_space<hbm>>
        %dma_start3A_112 = tpu.memref_slice %arg14[%dma_start3A_110] : memref<2x!tpu.dma_semaphore, #tpu.memory_space<semaphore_mem>> -> memref<1x!tpu.dma_semaphore, #tpu.memory_space<semaphore_mem>>
        %dma_start3A_113 = tpu.memref_squeeze %dma_start3A_112 : memref<1x!tpu.dma_semaphore, #tpu.memory_space<semaphore_mem>> -> memref<!tpu.dma_semaphore, #tpu.memory_space<semaphore_mem>>
        %dma_start3A_114 = tpu.memref_slice %arg3[%multiple_of3A_109] : memref<327680xi32, #tpu.memory_space<hbm>> -> memref<128xi32, #tpu.memory_space<hbm>>
        tpu.enqueue_dma source(%dma_start3A_114 : memref<128xi32, #tpu.memory_space<hbm>>) target(%arg7 : memref<128xi32, #tpu.memory_space<vmem>>) target_semaphore(%dma_start3A_113 : memref<!tpu.dma_semaphore, #tpu.memory_space<semaphore_mem>>)
        %dma_start3A_115 = arith.constant 1 : i32
        %dma_start3A_116 = tpu.memref_slice %arg4[%multiple_of3A_109] : memref<327680xi32, #tpu.memory_space<hbm>> -> memref<128xi32, #tpu.memory_space<hbm>>
        %dma_start3A_117 = tpu.memref_slice %arg14[%dma_start3A_115] : memref<2x!tpu.dma_semaphore, #tpu.memory_space<semaphore_mem>> -> memref<1x!tpu.dma_semaphore, #tpu.memory_space<semaphore_mem>>
        %dma_start3A_118 = tpu.memref_squeeze %dma_start3A_117 : memref<1x!tpu.dma_semaphore, #tpu.memory_space<semaphore_mem>> -> memref<!tpu.dma_semaphore, #tpu.memory_space<semaphore_mem>>
        %dma_start3A_119 = tpu.memref_slice %arg4[%multiple_of3A_109] : memref<327680xi32, #tpu.memory_space<hbm>> -> memref<128xi32, #tpu.memory_space<hbm>>
        tpu.enqueue_dma source(%dma_start3A_119 : memref<128xi32, #tpu.memory_space<hbm>>) target(%arg9 : memref<128xi32, #tpu.memory_space<vmem>>) target_semaphore(%dma_start3A_118 : memref<!tpu.dma_semaphore, #tpu.memory_space<semaphore_mem>>)
        %dma_wait3A_120 = arith.constant 1 : i32
        %dma_wait3A_121 = arith.constant 0 : i32
        %dma_wait3A_122 = tpu.memref_slice %arg3[%dma_wait3A_121] : memref<327680xi32, #tpu.memory_space<hbm>> -> memref<128xi32, #tpu.memory_space<hbm>>
        %dma_wait3A_123 = tpu.memref_slice %arg14[%dma_wait3A_120] : memref<2x!tpu.dma_semaphore, #tpu.memory_space<semaphore_mem>> -> memref<1x!tpu.dma_semaphore, #tpu.memory_space<semaphore_mem>>
        %dma_wait3A_124 = tpu.memref_squeeze %dma_wait3A_123 : memref<1x!tpu.dma_semaphore, #tpu.memory_space<semaphore_mem>> -> memref<!tpu.dma_semaphore, #tpu.memory_space<semaphore_mem>>
        %dma_wait3A_125 = arith.constant 0 : i32
        %dma_wait3A_126 = tpu.memref_slice %arg3[%dma_wait3A_125] : memref<327680xi32, #tpu.memory_space<hbm>> -> memref<128xi32, #tpu.memory_space<hbm>>
        tpu.wait_dma2 semaphore(%dma_wait3A_124 : memref<!tpu.dma_semaphore, #tpu.memory_space<semaphore_mem>>) src(%dma_wait3A_126 : memref<128xi32, #tpu.memory_space<hbm>>) dst(%arg7 : memref<128xi32, #tpu.memory_space<vmem>>)
        %dma_wait3A_127 = arith.constant 1 : i32
        %dma_wait3A_128 = arith.constant 0 : i32
        %dma_wait3A_129 = tpu.memref_slice %arg4[%dma_wait3A_128] : memref<327680xi32, #tpu.memory_space<hbm>> -> memref<128xi32, #tpu.memory_space<hbm>>
        %dma_wait3A_130 = tpu.memref_slice %arg14[%dma_wait3A_127] : memref<2x!tpu.dma_semaphore, #tpu.memory_space<semaphore_mem>> -> memref<1x!tpu.dma_semaphore, #tpu.memory_space<semaphore_mem>>
        %dma_wait3A_131 = tpu.memref_squeeze %dma_wait3A_130 : memref<1x!tpu.dma_semaphore, #tpu.memory_space<semaphore_mem>> -> memref<!tpu.dma_semaphore, #tpu.memory_space<semaphore_mem>>
        %dma_wait3A_132 = arith.constant 0 : i32
        %dma_wait3A_133 = tpu.memref_slice %arg4[%dma_wait3A_132] : memref<327680xi32, #tpu.memory_space<hbm>> -> memref<128xi32, #tpu.memory_space<hbm>>
        tpu.wait_dma2 semaphore(%dma_wait3A_131 : memref<!tpu.dma_semaphore, #tpu.memory_space<semaphore_mem>>) src(%dma_wait3A_133 : memref<128xi32, #tpu.memory_space<hbm>>) dst(%arg9 : memref<128xi32, #tpu.memory_space<vmem>>)
        %dma_start3A_134 = arith.constant 1 : i32
        %dma_start3A_135 = arith.constant 0 : i32
        %dma_start3A_136 = arith.constant 0 : i32
        %dma_start3A_137 = tpu.memref_slice %arg2[%dma_start3A_135, %dma_start3A_136] : memref<10240x64xf32, #tpu.memory_space<hbm>> -> memref<10240x64xf32, #tpu.memory_space<hbm>>
        %dma_start3A_138 = tpu.memref_slice %arg13[%dma_start3A_134] : memref<2x!tpu.dma_semaphore, #tpu.memory_space<semaphore_mem>> -> memref<1x!tpu.dma_semaphore, #tpu.memory_space<semaphore_mem>>
        %dma_start3A_139 = tpu.memref_squeeze %dma_start3A_138 : memref<1x!tpu.dma_semaphore, #tpu.memory_space<semaphore_mem>> -> memref<!tpu.dma_semaphore, #tpu.memory_space<semaphore_mem>>
        tpu.enqueue_indirect_dma source(%dma_start3A_137 : memref<10240x64xf32, #tpu.memory_space<hbm>>) target(%arg11 : memref<128x64xf32, #tpu.memory_space<vmem>>) offsets(%arg7 : memref<128xi32, #tpu.memory_space<vmem>>) semaphore(%dma_start3A_139 : memref<!tpu.dma_semaphore, #tpu.memory_space<semaphore_mem>>)
        %dma_wait3A_140 = arith.constant 0 : i32
        %dma_wait3A_141 = arith.constant 0 : i32
        %dma_wait3A_142 = arith.constant 0 : i32
        %dma_wait3A_143 = tpu.memref_slice %arg2[%dma_wait3A_141, %dma_wait3A_142] : memref<10240x64xf32, #tpu.memory_space<hbm>> -> memref<10240x64xf32, #tpu.memory_space<hbm>>
        %dma_wait3A_144 = tpu.memref_slice %arg13[%dma_wait3A_140] : memref<2x!tpu.dma_semaphore, #tpu.memory_space<semaphore_mem>> -> memref<1x!tpu.dma_semaphore, #tpu.memory_space<semaphore_mem>>
        %dma_wait3A_145 = tpu.memref_squeeze %dma_wait3A_144 : memref<1x!tpu.dma_semaphore, #tpu.memory_space<semaphore_mem>> -> memref<!tpu.dma_semaphore, #tpu.memory_space<semaphore_mem>>
        tpu.wait_indirect_dma semaphore(%dma_wait3A_145 : memref<!tpu.dma_semaphore, #tpu.memory_space<semaphore_mem>>) src(%dma_wait3A_143 : memref<10240x64xf32, #tpu.memory_space<hbm>>) dst(%arg10 : memref<128x64xf32, #tpu.memory_space<vmem>>)
        "tpu.region"() ({
          %run_scoped3A_151 = tpu.sem_alloc : memref<!tpu.dma_semaphore, #tpu.memory_space<semaphore_mem>>
          %dma_start3A_152 = arith.constant 0 : i32
          %dma_start3A_153 = arith.constant 0 : i32
          %dma_start3A_154 = tpu.memref_slice %arg12[%dma_start3A_152, %dma_start3A_153] : memref<10240x64xf32, #tpu.memory_space<vmem_shared>> -> memref<10240x64xf32, #tpu.memory_space<vmem_shared>>
          tpu.enqueue_indirect_dma source(%arg10 : memref<128x64xf32, #tpu.memory_space<vmem>>) target(%dma_start3A_154 : memref<10240x64xf32, #tpu.memory_space<vmem_shared>>) offsets(%arg8 : memref<128xi32, #tpu.memory_space<vmem>>) semaphore(%run_scoped3A_151 : memref<!tpu.dma_semaphore, #tpu.memory_space<semaphore_mem>>) {add = true}
          %dma_wait3A_155 = arith.constant 0 : i32
          %dma_wait3A_156 = arith.constant 0 : i32
          %dma_wait3A_157 = tpu.memref_slice %arg12[%dma_wait3A_155, %dma_wait3A_156] : memref<10240x64xf32, #tpu.memory_space<vmem_shared>> -> memref<10240x64xf32, #tpu.memory_space<vmem_shared>>
          tpu.wait_indirect_dma semaphore(%run_scoped3A_151 : memref<!tpu.dma_semaphore, #tpu.memory_space<semaphore_mem>>) src(%arg10 : memref<128x64xf32, #tpu.memory_space<vmem>>) dst(%dma_wait3A_157 : memref<10240x64xf32, #tpu.memory_space<vmem_shared>>)
          tpu.yield
        }) : () -> ()
        %lt3A = arith.constant 79 : i32
        %lt3A_146 = arith.cmpi slt, %scan3A_76, %lt3A : i32
        %convert_element_type3A_147 = arith.extui %lt3A_146 : i1 to i32
        %cond3A_148 = arith.constant 0 : i32
        %cond3A_149 = arith.cmpi ne, %convert_element_type3A_147, %cond3A_148 : i32
        scf.if %cond3A_149 {
          %add3A_151 = arith.constant 2 : i32
          %add3A_152 = arith.addi %mul3A_79, %add3A_151 : i32
          %mul3A_153 = arith.constant 128 : i32
          %mul3A_154 = arith.muli %add3A_152, %mul3A_153 : i32
          %add3A_155 = arith.addi %mul3A_27, %mul3A_154 : i32
          %multiple_of3A_156 = tpu.assume_multiple %add3A_155, 128 : i32
          %dma_start3A_157 = arith.constant 0 : i32
          %dma_start3A_158 = tpu.memref_slice %arg3[%multiple_of3A_156] : memref<327680xi32, #tpu.memory_space<hbm>> -> memref<128xi32, #tpu.memory_space<hbm>>
          %dma_start3A_159 = tpu.memref_slice %arg14[%dma_start3A_157] : memref<2x!tpu.dma_semaphore, #tpu.memory_space<semaphore_mem>> -> memref<1x!tpu.dma_semaphore, #tpu.memory_space<semaphore_mem>>
          %dma_start3A_160 = tpu.memref_squeeze %dma_start3A_159 : memref<1x!tpu.dma_semaphore, #tpu.memory_space<semaphore_mem>> -> memref<!tpu.dma_semaphore, #tpu.memory_space<semaphore_mem>>
          %dma_start3A_161 = tpu.memref_slice %arg3[%multiple_of3A_156] : memref<327680xi32, #tpu.memory_space<hbm>> -> memref<128xi32, #tpu.memory_space<hbm>>
          tpu.enqueue_dma source(%dma_start3A_161 : memref<128xi32, #tpu.memory_space<hbm>>) target(%arg6 : memref<128xi32, #tpu.memory_space<vmem>>) target_semaphore(%dma_start3A_160 : memref<!tpu.dma_semaphore, #tpu.memory_space<semaphore_mem>>)
          %dma_start3A_162 = arith.constant 0 : i32
          %dma_start3A_163 = tpu.memref_slice %arg4[%multiple_of3A_156] : memref<327680xi32, #tpu.memory_space<hbm>> -> memref<128xi32, #tpu.memory_space<hbm>>
          %dma_start3A_164 = tpu.memref_slice %arg14[%dma_start3A_162] : memref<2x!tpu.dma_semaphore, #tpu.memory_space<semaphore_mem>> -> memref<1x!tpu.dma_semaphore, #tpu.memory_space<semaphore_mem>>
          %dma_start3A_165 = tpu.memref_squeeze %dma_start3A_164 : memref<1x!tpu.dma_semaphore, #tpu.memory_space<semaphore_mem>> -> memref<!tpu.dma_semaphore, #tpu.memory_space<semaphore_mem>>
          %dma_start3A_166 = tpu.memref_slice %arg4[%multiple_of3A_156] : memref<327680xi32, #tpu.memory_space<hbm>> -> memref<128xi32, #tpu.memory_space<hbm>>
          tpu.enqueue_dma source(%dma_start3A_166 : memref<128xi32, #tpu.memory_space<hbm>>) target(%arg8 : memref<128xi32, #tpu.memory_space<vmem>>) target_semaphore(%dma_start3A_165 : memref<!tpu.dma_semaphore, #tpu.memory_space<semaphore_mem>>)
        } else {
        }
        %scan3A_150 = arith.constant 0 : i32
        scf.yield %scan3A_150 : i32
      }
      %scan3A_45 = arith.constant 80 : i32
      %dma_wait3A = arith.constant 1 : i32
      %dma_wait3A_46 = arith.constant 0 : i32
      %dma_wait3A_47 = arith.constant 0 : i32
      %dma_wait3A_48 = tpu.memref_slice %arg2[%dma_wait3A_46, %dma_wait3A_47] : memref<10240x64xf32, #tpu.memory_space<hbm>> -> memref<10240x64xf32, #tpu.memory_space<hbm>>
      %dma_wait3A_49 = tpu.memref_slice %arg13[%dma_wait3A] : memref<2x!tpu.dma_semaphore, #tpu.memory_space<semaphore_mem>> -> memref<1x!tpu.dma_semaphore, #tpu.memory_space<semaphore_mem>>
      %dma_wait3A_50 = tpu.memref_squeeze %dma_wait3A_49 : memref<1x!tpu.dma_semaphore, #tpu.memory_space<semaphore_mem>> -> memref<!tpu.dma_semaphore, #tpu.memory_space<semaphore_mem>>
      tpu.wait_indirect_dma semaphore(%dma_wait3A_50 : memref<!tpu.dma_semaphore, #tpu.memory_space<semaphore_mem>>) src(%dma_wait3A_48 : memref<10240x64xf32, #tpu.memory_space<hbm>>) dst(%arg11 : memref<128x64xf32, #tpu.memory_space<vmem>>)
      "tpu.region"() ({
        %run_scoped3A_76 = tpu.sem_alloc : memref<!tpu.dma_semaphore, #tpu.memory_space<semaphore_mem>>
        %dma_start3A_77 = arith.constant 0 : i32
        %dma_start3A_78 = arith.constant 0 : i32
        %dma_start3A_79 = tpu.memref_slice %arg12[%dma_start3A_77, %dma_start3A_78] : memref<10240x64xf32, #tpu.memory_space<vmem_shared>> -> memref<10240x64xf32, #tpu.memory_space<vmem_shared>>
        tpu.enqueue_indirect_dma source(%arg11 : memref<128x64xf32, #tpu.memory_space<vmem>>) target(%dma_start3A_79 : memref<10240x64xf32, #tpu.memory_space<vmem_shared>>) offsets(%arg9 : memref<128xi32, #tpu.memory_space<vmem>>) semaphore(%run_scoped3A_76 : memref<!tpu.dma_semaphore, #tpu.memory_space<semaphore_mem>>) {add = true}
        %dma_wait3A_80 = arith.constant 0 : i32
        %dma_wait3A_81 = arith.constant 0 : i32
        %dma_wait3A_82 = tpu.memref_slice %arg12[%dma_wait3A_80, %dma_wait3A_81] : memref<10240x64xf32, #tpu.memory_space<vmem_shared>> -> memref<10240x64xf32, #tpu.memory_space<vmem_shared>>
        tpu.wait_indirect_dma semaphore(%run_scoped3A_76 : memref<!tpu.dma_semaphore, #tpu.memory_space<semaphore_mem>>) src(%arg11 : memref<128x64xf32, #tpu.memory_space<vmem>>) dst(%dma_wait3A_82 : memref<10240x64xf32, #tpu.memory_space<vmem_shared>>)
        tpu.yield
      }) : () -> ()
      %barrier3A_51 = arith.constant 0 : index
      tpu.barrier barrier_id(%barrier3A_51)
      %mul3A_52 = arith.constant 640 : i32
      %mul3A_53 = arith.muli %arg1, %mul3A_52 : i32
      %add3A_54 = arith.constant 0 : i32
      %add3A_55 = arith.addi %mul3A_53, %add3A_54 : i32
      %run_scoped3A = arith.constant 0 : i32
      "tpu.region"() ({
        %run_scoped3A_76 = tpu.sem_alloc : memref<!tpu.dma_semaphore, #tpu.memory_space<semaphore_mem>>
        %dma_start3A_77 = arith.constant 0 : i32
        %dma_start3A_78 = tpu.memref_slice %arg5[%run_scoped3A, %add3A_55, %dma_start3A_77] : memref<1x10240x64xf32, #tpu.memory_space<hbm>> -> memref<1x128x64xf32, #tpu.memory_space<hbm>>
        %dma_start3A_79 = tpu.memref_squeeze %dma_start3A_78 : memref<1x128x64xf32, #tpu.memory_space<hbm>> -> memref<128x64xf32, #tpu.memory_space<hbm>>
        %dma_start3A_80 = arith.constant 0 : i32
        %dma_start3A_81 = tpu.memref_slice %arg12[%add3A_55, %dma_start3A_80] : memref<10240x64xf32, #tpu.memory_space<vmem_shared>> -> memref<128x64xf32, #tpu.memory_space<vmem_shared>>
        tpu.enqueue_dma source(%dma_start3A_81 : memref<128x64xf32, #tpu.memory_space<vmem_shared>>) target(%dma_start3A_79 : memref<128x64xf32, #tpu.memory_space<hbm>>) target_semaphore(%run_scoped3A_76 : memref<!tpu.dma_semaphore, #tpu.memory_space<semaphore_mem>>)
        %dma_wait3A_82 = arith.constant 0 : i32
        %dma_wait3A_83 = tpu.memref_slice %arg5[%run_scoped3A, %add3A_55, %dma_wait3A_82] : memref<1x10240x64xf32, #tpu.memory_space<hbm>> -> memref<1x128x64xf32, #tpu.memory_space<hbm>>
        %dma_wait3A_84 = tpu.memref_squeeze %dma_wait3A_83 : memref<1x128x64xf32, #tpu.memory_space<hbm>> -> memref<128x64xf32, #tpu.memory_space<hbm>>
        %dma_wait3A_85 = arith.constant 0 : i32
        %dma_wait3A_86 = tpu.memref_slice %arg12[%add3A_55, %dma_wait3A_85] : memref<10240x64xf32, #tpu.memory_space<vmem_shared>> -> memref<128x64xf32, #tpu.memory_space<vmem_shared>>
        tpu.wait_dma2 semaphore(%run_scoped3A_76 : memref<!tpu.dma_semaphore, #tpu.memory_space<semaphore_mem>>) src(%dma_wait3A_86 : memref<128x64xf32, #tpu.memory_space<vmem_shared>>) dst(%dma_wait3A_84 : memref<128x64xf32, #tpu.memory_space<hbm>>)
        tpu.yield
      }) : () -> ()
      %mul3A_56 = arith.constant 640 : i32
      %mul3A_57 = arith.muli %arg1, %mul3A_56 : i32
      %add3A_58 = arith.constant 128 : i32
      %add3A_59 = arith.addi %mul3A_57, %add3A_58 : i32
      %run_scoped3A_60 = arith.constant 0 : i32
      "tpu.region"() ({
        %run_scoped3A_76 = tpu.sem_alloc : memref<!tpu.dma_semaphore, #tpu.memory_space<semaphore_mem>>
        %dma_start3A_77 = arith.constant 0 : i32
        %dma_start3A_78 = tpu.memref_slice %arg5[%run_scoped3A_60, %add3A_59, %dma_start3A_77] : memref<1x10240x64xf32, #tpu.memory_space<hbm>> -> memref<1x128x64xf32, #tpu.memory_space<hbm>>
        %dma_start3A_79 = tpu.memref_squeeze %dma_start3A_78 : memref<1x128x64xf32, #tpu.memory_space<hbm>> -> memref<128x64xf32, #tpu.memory_space<hbm>>
        %dma_start3A_80 = arith.constant 0 : i32
        %dma_start3A_81 = tpu.memref_slice %arg12[%add3A_59, %dma_start3A_80] : memref<10240x64xf32, #tpu.memory_space<vmem_shared>> -> memref<128x64xf32, #tpu.memory_space<vmem_shared>>
        tpu.enqueue_dma source(%dma_start3A_81 : memref<128x64xf32, #tpu.memory_space<vmem_shared>>) target(%dma_start3A_79 : memref<128x64xf32, #tpu.memory_space<hbm>>) target_semaphore(%run_scoped3A_76 : memref<!tpu.dma_semaphore, #tpu.memory_space<semaphore_mem>>)
        %dma_wait3A_82 = arith.constant 0 : i32
        %dma_wait3A_83 = tpu.memref_slice %arg5[%run_scoped3A_60, %add3A_59, %dma_wait3A_82] : memref<1x10240x64xf32, #tpu.memory_space<hbm>> -> memref<1x128x64xf32, #tpu.memory_space<hbm>>
        %dma_wait3A_84 = tpu.memref_squeeze %dma_wait3A_83 : memref<1x128x64xf32, #tpu.memory_space<hbm>> -> memref<128x64xf32, #tpu.memory_space<hbm>>
        %dma_wait3A_85 = arith.constant 0 : i32
        %dma_wait3A_86 = tpu.memref_slice %arg12[%add3A_59, %dma_wait3A_85] : memref<10240x64xf32, #tpu.memory_space<vmem_shared>> -> memref<128x64xf32, #tpu.memory_space<vmem_shared>>
        tpu.wait_dma2 semaphore(%run_scoped3A_76 : memref<!tpu.dma_semaphore, #tpu.memory_space<semaphore_mem>>) src(%dma_wait3A_86 : memref<128x64xf32, #tpu.memory_space<vmem_shared>>) dst(%dma_wait3A_84 : memref<128x64xf32, #tpu.memory_space<hbm>>)
        tpu.yield
      }) : () -> ()
      %mul3A_61 = arith.constant 640 : i32
      %mul3A_62 = arith.muli %arg1, %mul3A_61 : i32
      %add3A_63 = arith.constant 256 : i32
      %add3A_64 = arith.addi %mul3A_62, %add3A_63 : i32
      %run_scoped3A_65 = arith.constant 0 : i32
      "tpu.region"() ({
        %run_scoped3A_76 = tpu.sem_alloc : memref<!tpu.dma_semaphore, #tpu.memory_space<semaphore_mem>>
        %dma_start3A_77 = arith.constant 0 : i32
        %dma_start3A_78 = tpu.memref_slice %arg5[%run_scoped3A_65, %add3A_64, %dma_start3A_77] : memref<1x10240x64xf32, #tpu.memory_space<hbm>> -> memref<1x128x64xf32, #tpu.memory_space<hbm>>
        %dma_start3A_79 = tpu.memref_squeeze %dma_start3A_78 : memref<1x128x64xf32, #tpu.memory_space<hbm>> -> memref<128x64xf32, #tpu.memory_space<hbm>>
        %dma_start3A_80 = arith.constant 0 : i32
        %dma_start3A_81 = tpu.memref_slice %arg12[%add3A_64, %dma_start3A_80] : memref<10240x64xf32, #tpu.memory_space<vmem_shared>> -> memref<128x64xf32, #tpu.memory_space<vmem_shared>>
        tpu.enqueue_dma source(%dma_start3A_81 : memref<128x64xf32, #tpu.memory_space<vmem_shared>>) target(%dma_start3A_79 : memref<128x64xf32, #tpu.memory_space<hbm>>) target_semaphore(%run_scoped3A_76 : memref<!tpu.dma_semaphore, #tpu.memory_space<semaphore_mem>>)
        %dma_wait3A_82 = arith.constant 0 : i32
        %dma_wait3A_83 = tpu.memref_slice %arg5[%run_scoped3A_65, %add3A_64, %dma_wait3A_82] : memref<1x10240x64xf32, #tpu.memory_space<hbm>> -> memref<1x128x64xf32, #tpu.memory_space<hbm>>
        %dma_wait3A_84 = tpu.memref_squeeze %dma_wait3A_83 : memref<1x128x64xf32, #tpu.memory_space<hbm>> -> memref<128x64xf32, #tpu.memory_space<hbm>>
        %dma_wait3A_85 = arith.constant 0 : i32
        %dma_wait3A_86 = tpu.memref_slice %arg12[%add3A_64, %dma_wait3A_85] : memref<10240x64xf32, #tpu.memory_space<vmem_shared>> -> memref<128x64xf32, #tpu.memory_space<vmem_shared>>
        tpu.wait_dma2 semaphore(%run_scoped3A_76 : memref<!tpu.dma_semaphore, #tpu.memory_space<semaphore_mem>>) src(%dma_wait3A_86 : memref<128x64xf32, #tpu.memory_space<vmem_shared>>) dst(%dma_wait3A_84 : memref<128x64xf32, #tpu.memory_space<hbm>>)
        tpu.yield
      }) : () -> ()
      %mul3A_66 = arith.constant 640 : i32
      %mul3A_67 = arith.muli %arg1, %mul3A_66 : i32
      %add3A_68 = arith.constant 384 : i32
      %add3A_69 = arith.addi %mul3A_67, %add3A_68 : i32
      %run_scoped3A_70 = arith.constant 0 : i32
      "tpu.region"() ({
        %run_scoped3A_76 = tpu.sem_alloc : memref<!tpu.dma_semaphore, #tpu.memory_space<semaphore_mem>>
        %dma_start3A_77 = arith.constant 0 : i32
        %dma_start3A_78 = tpu.memref_slice %arg5[%run_scoped3A_70, %add3A_69, %dma_start3A_77] : memref<1x10240x64xf32, #tpu.memory_space<hbm>> -> memref<1x128x64xf32, #tpu.memory_space<hbm>>
        %dma_start3A_79 = tpu.memref_squeeze %dma_start3A_78 : memref<1x128x64xf32, #tpu.memory_space<hbm>> -> memref<128x64xf32, #tpu.memory_space<hbm>>
        %dma_start3A_80 = arith.constant 0 : i32
        %dma_start3A_81 = tpu.memref_slice %arg12[%add3A_69, %dma_start3A_80] : memref<10240x64xf32, #tpu.memory_space<vmem_shared>> -> memref<128x64xf32, #tpu.memory_space<vmem_shared>>
        tpu.enqueue_dma source(%dma_start3A_81 : memref<128x64xf32, #tpu.memory_space<vmem_shared>>) target(%dma_start3A_79 : memref<128x64xf32, #tpu.memory_space<hbm>>) target_semaphore(%run_scoped3A_76 : memref<!tpu.dma_semaphore, #tpu.memory_space<semaphore_mem>>)
        %dma_wait3A_82 = arith.constant 0 : i32
        %dma_wait3A_83 = tpu.memref_slice %arg5[%run_scoped3A_70, %add3A_69, %dma_wait3A_82] : memref<1x10240x64xf32, #tpu.memory_space<hbm>> -> memref<1x128x64xf32, #tpu.memory_space<hbm>>
        %dma_wait3A_84 = tpu.memref_squeeze %dma_wait3A_83 : memref<1x128x64xf32, #tpu.memory_space<hbm>> -> memref<128x64xf32, #tpu.memory_space<hbm>>
        %dma_wait3A_85 = arith.constant 0 : i32
        %dma_wait3A_86 = tpu.memref_slice %arg12[%add3A_69, %dma_wait3A_85] : memref<10240x64xf32, #tpu.memory_space<vmem_shared>> -> memref<128x64xf32, #tpu.memory_space<vmem_shared>>
        tpu.wait_dma2 semaphore(%run_scoped3A_76 : memref<!tpu.dma_semaphore, #tpu.memory_space<semaphore_mem>>) src(%dma_wait3A_86 : memref<128x64xf32, #tpu.memory_space<vmem_shared>>) dst(%dma_wait3A_84 : memref<128x64xf32, #tpu.memory_space<hbm>>)
        tpu.yield
      }) : () -> ()
      %mul3A_71 = arith.constant 640 : i32
      %mul3A_72 = arith.muli %arg1, %mul3A_71 : i32
      %add3A_73 = arith.constant 512 : i32
      %add3A_74 = arith.addi %mul3A_72, %add3A_73 : i32
      %run_scoped3A_75 = arith.constant 0 : i32
      "tpu.region"() ({
        %run_scoped3A_76 = tpu.sem_alloc : memref<!tpu.dma_semaphore, #tpu.memory_space<semaphore_mem>>
        %dma_start3A_77 = arith.constant 0 : i32
        %dma_start3A_78 = tpu.memref_slice %arg5[%run_scoped3A_75, %add3A_74, %dma_start3A_77] : memref<1x10240x64xf32, #tpu.memory_space<hbm>> -> memref<1x128x64xf32, #tpu.memory_space<hbm>>
        %dma_start3A_79 = tpu.memref_squeeze %dma_start3A_78 : memref<1x128x64xf32, #tpu.memory_space<hbm>> -> memref<128x64xf32, #tpu.memory_space<hbm>>
        %dma_start3A_80 = arith.constant 0 : i32
        %dma_start3A_81 = tpu.memref_slice %arg12[%add3A_74, %dma_start3A_80] : memref<10240x64xf32, #tpu.memory_space<vmem_shared>> -> memref<128x64xf32, #tpu.memory_space<vmem_shared>>
        tpu.enqueue_dma source(%dma_start3A_81 : memref<128x64xf32, #tpu.memory_space<vmem_shared>>) target(%dma_start3A_79 : memref<128x64xf32, #tpu.memory_space<hbm>>) target_semaphore(%run_scoped3A_76 : memref<!tpu.dma_semaphore, #tpu.memory_space<semaphore_mem>>)
        %dma_wait3A_82 = arith.constant 0 : i32
        %dma_wait3A_83 = tpu.memref_slice %arg5[%run_scoped3A_75, %add3A_74, %dma_wait3A_82] : memref<1x10240x64xf32, #tpu.memory_space<hbm>> -> memref<1x128x64xf32, #tpu.memory_space<hbm>>
        %dma_wait3A_84 = tpu.memref_squeeze %dma_wait3A_83 : memref<1x128x64xf32, #tpu.memory_space<hbm>> -> memref<128x64xf32, #tpu.memory_space<hbm>>
        %dma_wait3A_85 = arith.constant 0 : i32
        %dma_wait3A_86 = tpu.memref_slice %arg12[%add3A_74, %dma_wait3A_85] : memref<10240x64xf32, #tpu.memory_space<vmem_shared>> -> memref<128x64xf32, #tpu.memory_space<vmem_shared>>
        tpu.wait_dma2 semaphore(%run_scoped3A_76 : memref<!tpu.dma_semaphore, #tpu.memory_space<semaphore_mem>>) src(%dma_wait3A_86 : memref<128x64xf32, #tpu.memory_space<vmem_shared>>) dst(%dma_wait3A_84 : memref<128x64xf32, #tpu.memory_space<hbm>>)
        tpu.yield
      }) : () -> ()
    } else {
    }
    return
  }
}

module attributes {stable_mosaic.version = 14 : i64} {
  func.func @_tcA_body(%arg0: i32, %arg1: memref<1024x128xf32, #tpu.memory_space<vmem>>, %arg2: memref<128x128xf32, #tpu.memory_space<vmem>>, %arg3: memref<32x1024xf32, #tpu.memory_space<vmem>>, %arg4: memref<1024x128xf32, #tpu.memory_space<vmem>>) attributes {dimension_semantics = [#tpu.dimension_semantics<arbitrary>], iteration_bounds = array<i64: 10>, scalar_prefetch = 0 : i64, scratch_operands = 0 : i64, tpu.core_type = #tpu.core_type<tc>, window_params = [{transform_indices = @transform_0, window_bounds = array<i64: 1024, 128>}, {pipeline_mode = #tpu.pipeline_mode<synchronous>, transform_indices = @transform_1, window_bounds = array<i64: 128, 128>}, {transform_indices = @transform_2, window_bounds = array<i64: 32, 1024>}, {transform_indices = @transform_3, window_bounds = array<i64: 1024, 128>}]} {
    %get3A = arith.constant 0 : index
    %get3A_0 = arith.constant 0 : index
    %get3A_1 = vector.load %arg3[%get3A, %get3A_0] : memref<32x1024xf32, #tpu.memory_space<vmem>>, vector<32x1024xf32>
    %reduce_sum3A = arith.constant dense<0.000000e+00> : vector<1024xf32>
    %reduce_sum3A_2 = vector.multi_reduction <add>, %get3A_1, %reduce_sum3A [0] : vector<32x1024xf32> to vector<1024xf32>
    %broadcast_in_dim3A = vector.shape_cast %reduce_sum3A_2 : vector<1024xf32> to vector<1024x1xf32>
    %add3A = arith.constant 1.000000e+00 : f32
    %add3A_3 = vector.broadcast %add3A : f32 to vector<1024x1xf32>
    %add3A_4 = arith.addf %broadcast_in_dim3A, %add3A_3 : vector<1024x1xf32>
    %rsqrt3A = math.rsqrt %add3A_4 : vector<1024x1xf32>
    %get3A_5 = arith.constant 0 : index
    %get3A_6 = arith.constant 0 : index
    %get3A_7 = vector.load %arg1[%get3A_5, %get3A_6] : memref<1024x128xf32, #tpu.memory_space<vmem>>, vector<1024x128xf32>
    %get3A_8 = arith.constant 0 : index
    %get3A_9 = arith.constant 0 : index
    %get3A_10 = vector.load %arg2[%get3A_8, %get3A_9] : memref<128x128xf32, #tpu.memory_space<vmem>>, vector<128x128xf32>
    %dot_general3A = arith.constant dense<0.000000e+00> : vector<1024x128xf32>
    %dot_general3A_11 = tpu.matmul %get3A_7, %get3A_10, %dot_general3A {dimension_numbers = #tpu.dot_dimension_numbers<[1], [0], [0], [1], [0, 0, 1, 1], [], []>, precision = #tpu.contract_precision<fp32>, transpose_lhs_hint = false} : vector<1024x128xf32>, vector<128x128xf32>, vector<1024x128xf32> -> vector<1024x128xf32>
    %mul3A = vector.broadcast %rsqrt3A : vector<1024x1xf32> to vector<1024x128xf32>
    %mul3A_12 = arith.mulf %dot_general3A_11, %mul3A : vector<1024x128xf32>
    %swap3A = arith.constant 0 : index
    %swap3A_13 = arith.constant 0 : index
    %swap3A_14 = vector.load %arg4[%swap3A, %swap3A_13] : memref<1024x128xf32, #tpu.memory_space<vmem>>, vector<1024x128xf32>
    tpu.vector_store %arg4[%swap3A, %swap3A_13], %mul3A_12 {strides = array<i32>} : memref<1024x128xf32, #tpu.memory_space<vmem>>, vector<1024x128xf32>,
    return
  }
  func.func @transform_0(%arg0: i32) -> (i32, i32) {
    %c0_i32 = arith.constant 0 : i32
    %c0_i32_0 = arith.constant 0 : i32
    return %arg0, %c0_i32 : i32, i32
  }
  func.func @transform_1(%arg0: i32) -> (i32, i32) {
    %c0_i32 = arith.constant 0 : i32
    %c0_i32_0 = arith.constant 0 : i32
    %c0_i32_1 = arith.constant 0 : i32
    return %c0_i32, %c0_i32_0 : i32, i32
  }
  func.func @transform_2(%arg0: i32) -> (i32, i32) {
    %c0_i32 = arith.constant 0 : i32
    %c0_i32_0 = arith.constant 0 : i32
    return %c0_i32, %arg0 : i32, i32
  }
  func.func @transform_3(%arg0: i32) -> (i32, i32) {
    %c0_i32 = arith.constant 0 : i32
    %c0_i32_0 = arith.constant 0 : i32
    return %arg0, %c0_i32 : i32, i32
  }
}

module attributes {stable_mosaic.version = 14 : i64} {
  func.func @_tcB_body(%arg0: i32, %arg1: memref<1x1024x128xf32, #tpu.memory_space<vmem>>, %arg2: memref<1024x128xf32, #tpu.memory_space<vmem>>, %arg3: memref<32x1024xf32, #tpu.memory_space<vmem>>, %arg4: memref<128x64xf32, #tpu.memory_space<vmem>>, %arg5: memref<1x128xf32, #tpu.memory_space<vmem>>, %arg6: memref<1024x64xf32, #tpu.memory_space<vmem>>) attributes {dimension_semantics = [#tpu.dimension_semantics<arbitrary>], iteration_bounds = array<i64: 10>, scalar_prefetch = 0 : i64, scratch_operands = 0 : i64, tpu.core_type = #tpu.core_type<tc>, window_params = [{transform_indices = @transform_0, window_bounds = array<i64: 1, 1024, 128>}, {transform_indices = @transform_1, window_bounds = array<i64: 1024, 128>}, {transform_indices = @transform_2, window_bounds = array<i64: 32, 1024>}, {pipeline_mode = #tpu.pipeline_mode<synchronous>, transform_indices = @transform_3, window_bounds = array<i64: 128, 64>}, {pipeline_mode = #tpu.pipeline_mode<synchronous>, transform_indices = @transform_4, window_bounds = array<i64: 1, 128>}, {transform_indices = @transform_5, window_bounds = array<i64: 1024, 64>}]} {
    %get3A = arith.constant 0 : index
    %get3A_0 = arith.constant 0 : index
    %get3A_1 = vector.load %arg3[%get3A, %get3A_0] : memref<32x1024xf32, #tpu.memory_space<vmem>>, vector<32x1024xf32>
    %reduce_sum3A = arith.constant dense<0.000000e+00> : vector<1024xf32>
    %reduce_sum3A_2 = vector.multi_reduction <add>, %get3A_1, %reduce_sum3A [0] : vector<32x1024xf32> to vector<1024xf32>
    %broadcast_in_dim3A = vector.shape_cast %reduce_sum3A_2 : vector<1024xf32> to vector<1024x1xf32>
    %add3A = arith.constant 1.000000e+00 : f32
    %add3A_3 = vector.broadcast %add3A : f32 to vector<1024x1xf32>
    %add3A_4 = arith.addf %broadcast_in_dim3A, %add3A_3 : vector<1024x1xf32>
    %rsqrt3A = math.rsqrt %add3A_4 : vector<1024x1xf32>
    %get3A_5 = arith.constant 0 : index
    %get3A_6 = arith.constant 0 : index
    %get3A_7 = arith.constant 0 : index
    %get3A_8 = vector.load %arg1[%get3A_5, %get3A_6, %get3A_7] : memref<1x1024x128xf32, #tpu.memory_space<vmem>>, vector<1x1024x128xf32>
    %get3A_9 = vector.shape_cast %get3A_8 : vector<1x1024x128xf32> to vector<1024x128xf32>
    %get3A_10 = arith.constant 0 : index
    %get3A_11 = arith.constant 0 : index
    %get3A_12 = vector.load %arg2[%get3A_10, %get3A_11] : memref<1024x128xf32, #tpu.memory_space<vmem>>, vector<1024x128xf32>
    %add3A_13 = arith.addf %get3A_9, %get3A_12 : vector<1024x128xf32>
    %mul3A = vector.broadcast %rsqrt3A : vector<1024x1xf32> to vector<1024x128xf32>
    %mul3A_14 = arith.mulf %add3A_13, %mul3A : vector<1024x128xf32>
    %get3A_15 = arith.constant 0 : index
    %get3A_16 = arith.constant 0 : index
    %get3A_17 = vector.load %arg5[%get3A_15, %get3A_16] : memref<1x128xf32, #tpu.memory_space<vmem>>, vector<1x128xf32>
    %add3A_18 = vector.broadcast %get3A_17 : vector<1x128xf32> to vector<1024x128xf32>
    %add3A_19 = arith.addf %mul3A_14, %add3A_18 : vector<1024x128xf32>
    %max3A = arith.constant 0.000000e+00 : f32
    %max3A_20 = vector.broadcast %max3A : f32 to vector<1024x128xf32>
    %max3A_21 = arith.maximumf %add3A_19, %max3A_20 : vector<1024x128xf32>
    %get3A_22 = arith.constant 0 : index
    %get3A_23 = arith.constant 0 : index
    %get3A_24 = vector.load %arg4[%get3A_22, %get3A_23] : memref<128x64xf32, #tpu.memory_space<vmem>>, vector<128x64xf32>
    %dot_general3A = arith.constant dense<0.000000e+00> : vector<1024x64xf32>
    %dot_general3A_25 = tpu.matmul %max3A_21, %get3A_24, %dot_general3A {dimension_numbers = #tpu.dot_dimension_numbers<[1], [0], [0], [1], [0, 0, 1, 1], [], []>, precision = #tpu.contract_precision<fp32>, transpose_lhs_hint = false} : vector<1024x128xf32>, vector<128x64xf32>, vector<1024x64xf32> -> vector<1024x64xf32>
    %mul3A_26 = vector.broadcast %rsqrt3A : vector<1024x1xf32> to vector<1024x64xf32>
    %mul3A_27 = arith.mulf %dot_general3A_25, %mul3A_26 : vector<1024x64xf32>
    %swap3A = arith.constant 0 : index
    %swap3A_28 = arith.constant 0 : index
    %swap3A_29 = vector.load %arg6[%swap3A, %swap3A_28] : memref<1024x64xf32, #tpu.memory_space<vmem>>, vector<1024x64xf32>
    tpu.vector_store %arg6[%swap3A, %swap3A_28], %mul3A_27 {strides = array<i32>} : memref<1024x64xf32, #tpu.memory_space<vmem>>, vector<1024x64xf32>,
    return
  }
  func.func @transform_0(%arg0: i32) -> (i32, i32, i32) {
    %c0_i32 = arith.constant 0 : i32
    %c0_i32_0 = arith.constant 0 : i32
    %c0_i32_1 = arith.constant 0 : i32
    return %c0_i32, %arg0, %c0_i32_0 : i32, i32, i32
  }
  func.func @transform_1(%arg0: i32) -> (i32, i32) {
    %c0_i32 = arith.constant 0 : i32
    %c0_i32_0 = arith.constant 0 : i32
    return %arg0, %c0_i32 : i32, i32
  }
  func.func @transform_2(%arg0: i32) -> (i32, i32) {
    %c0_i32 = arith.constant 0 : i32
    %c0_i32_0 = arith.constant 0 : i32
    return %c0_i32, %arg0 : i32, i32
  }
  func.func @transform_3(%arg0: i32) -> (i32, i32) {
    %c0_i32 = arith.constant 0 : i32
    %c0_i32_0 = arith.constant 0 : i32
    %c0_i32_1 = arith.constant 0 : i32
    return %c0_i32, %c0_i32_0 : i32, i32
  }
  func.func @transform_4(%arg0: i32) -> (i32, i32) {
    %c0_i32 = arith.constant 0 : i32
    %c0_i32_0 = arith.constant 0 : i32
    %c0_i32_1 = arith.constant 0 : i32
    return %c0_i32, %c0_i32_0 : i32, i32
  }
  func.func @transform_5(%arg0: i32) -> (i32, i32) {
    %c0_i32 = arith.constant 0 : i32
    %c0_i32_0 = arith.constant 0 : i32
    return %arg0, %c0_i32 : i32, i32
  }
}

module attributes {stable_mosaic.version = 14 : i64} {
  func.func @_tcC_body(%arg0: i32, %arg1: memref<1x1024x64xf32, #tpu.memory_space<vmem>>, %arg2: memref<1024x64xf32, #tpu.memory_space<vmem>>, %arg3: memref<32x1024xf32, #tpu.memory_space<vmem>>, %arg4: memref<1x64xf32, #tpu.memory_space<vmem>>, %arg5: memref<1024x64xf32, #tpu.memory_space<vmem>>) attributes {dimension_semantics = [#tpu.dimension_semantics<arbitrary>], iteration_bounds = array<i64: 10>, scalar_prefetch = 0 : i64, scratch_operands = 0 : i64, tpu.core_type = #tpu.core_type<tc>, window_params = [{transform_indices = @transform_0, window_bounds = array<i64: 1, 1024, 64>}, {transform_indices = @transform_1, window_bounds = array<i64: 1024, 64>}, {transform_indices = @transform_2, window_bounds = array<i64: 32, 1024>}, {pipeline_mode = #tpu.pipeline_mode<synchronous>, transform_indices = @transform_3, window_bounds = array<i64: 1, 64>}, {transform_indices = @transform_4, window_bounds = array<i64: 1024, 64>}]} {
    %get3A = arith.constant 0 : index
    %get3A_0 = arith.constant 0 : index
    %get3A_1 = vector.load %arg3[%get3A, %get3A_0] : memref<32x1024xf32, #tpu.memory_space<vmem>>, vector<32x1024xf32>
    %reduce_sum3A = arith.constant dense<0.000000e+00> : vector<1024xf32>
    %reduce_sum3A_2 = vector.multi_reduction <add>, %get3A_1, %reduce_sum3A [0] : vector<32x1024xf32> to vector<1024xf32>
    %broadcast_in_dim3A = vector.shape_cast %reduce_sum3A_2 : vector<1024xf32> to vector<1024x1xf32>
    %add3A = arith.constant 1.000000e+00 : f32
    %add3A_3 = vector.broadcast %add3A : f32 to vector<1024x1xf32>
    %add3A_4 = arith.addf %broadcast_in_dim3A, %add3A_3 : vector<1024x1xf32>
    %rsqrt3A = math.rsqrt %add3A_4 : vector<1024x1xf32>
    %get3A_5 = arith.constant 0 : index
    %get3A_6 = arith.constant 0 : index
    %get3A_7 = arith.constant 0 : index
    %get3A_8 = vector.load %arg1[%get3A_5, %get3A_6, %get3A_7] : memref<1x1024x64xf32, #tpu.memory_space<vmem>>, vector<1x1024x64xf32>
    %get3A_9 = vector.shape_cast %get3A_8 : vector<1x1024x64xf32> to vector<1024x64xf32>
    %get3A_10 = arith.constant 0 : index
    %get3A_11 = arith.constant 0 : index
    %get3A_12 = vector.load %arg2[%get3A_10, %get3A_11] : memref<1024x64xf32, #tpu.memory_space<vmem>>, vector<1024x64xf32>
    %add3A_13 = arith.addf %get3A_9, %get3A_12 : vector<1024x64xf32>
    %mul3A = vector.broadcast %rsqrt3A : vector<1024x1xf32> to vector<1024x64xf32>
    %mul3A_14 = arith.mulf %add3A_13, %mul3A : vector<1024x64xf32>
    %get3A_15 = arith.constant 0 : index
    %get3A_16 = arith.constant 0 : index
    %get3A_17 = vector.load %arg4[%get3A_15, %get3A_16] : memref<1x64xf32, #tpu.memory_space<vmem>>, vector<1x64xf32>
    %add3A_18 = vector.broadcast %get3A_17 : vector<1x64xf32> to vector<1024x64xf32>
    %add3A_19 = arith.addf %mul3A_14, %add3A_18 : vector<1024x64xf32>
    %reduce_max3A = arith.constant dense<0xFF800000> : vector<1024xf32>
    %reduce_max3A_20 = vector.multi_reduction <maximumf>, %add3A_19, %reduce_max3A [1] : vector<1024x64xf32> to vector<1024xf32>
    %broadcast_in_dim3A_21 = vector.shape_cast %reduce_max3A_20 : vector<1024xf32> to vector<1024x1xf32>
    %sub3A = vector.broadcast %broadcast_in_dim3A_21 : vector<1024x1xf32> to vector<1024x64xf32>
    %sub3A_22 = arith.subf %add3A_19, %sub3A : vector<1024x64xf32>
    %exp3A = math.exp %sub3A_22 : vector<1024x64xf32>
    %reduce_sum3A_23 = arith.constant dense<0.000000e+00> : vector<1024xf32>
    %reduce_sum3A_24 = vector.multi_reduction <add>, %exp3A, %reduce_sum3A_23 [1] : vector<1024x64xf32> to vector<1024xf32>
    %broadcast_in_dim3A_25 = vector.shape_cast %reduce_sum3A_24 : vector<1024xf32> to vector<1024x1xf32>
    %div3A = vector.broadcast %broadcast_in_dim3A_25 : vector<1024x1xf32> to vector<1024x64xf32>
    %div3A_26 = arith.divf %exp3A, %div3A : vector<1024x64xf32>
    %swap3A = arith.constant 0 : index
    %swap3A_27 = arith.constant 0 : index
    %swap3A_28 = vector.load %arg5[%swap3A, %swap3A_27] : memref<1024x64xf32, #tpu.memory_space<vmem>>, vector<1024x64xf32>
    tpu.vector_store %arg5[%swap3A, %swap3A_27], %div3A_26 {strides = array<i32>} : memref<1024x64xf32, #tpu.memory_space<vmem>>, vector<1024x64xf32>,
    return
  }
  func.func @transform_0(%arg0: i32) -> (i32, i32, i32) {
    %c0_i32 = arith.constant 0 : i32
    %c0_i32_0 = arith.constant 0 : i32
    %c0_i32_1 = arith.constant 0 : i32
    return %c0_i32, %arg0, %c0_i32_0 : i32, i32, i32
  }
  func.func @transform_1(%arg0: i32) -> (i32, i32) {
    %c0_i32 = arith.constant 0 : i32
    %c0_i32_0 = arith.constant 0 : i32
    return %arg0, %c0_i32 : i32, i32
  }
  func.func @transform_2(%arg0: i32) -> (i32, i32) {
    %c0_i32 = arith.constant 0 : i32
    %c0_i32_0 = arith.constant 0 : i32
    return %c0_i32, %arg0 : i32, i32
  }
  func.func @transform_3(%arg0: i32) -> (i32, i32) {
    %c0_i32 = arith.constant 0 : i32
    %c0_i32_0 = arith.constant 0 : i32
    %c0_i32_1 = arith.constant 0 : i32
    return %c0_i32, %c0_i32_0 : i32, i32
  }
  func.func @transform_4(%arg0: i32) -> (i32, i32) {
    %c0_i32 = arith.constant 0 : i32
    %c0_i32_0 = arith.constant 0 : i32
    return %arg0, %c0_i32 : i32, i32
  }
}

</mosaic_0001>

<sc_bundles>
// kernel: kernel.11.cloned.1.call-start
scs
__scs_entry_jumppad:
0x0: {  	(pc) =	sbr.rel $0x88, $3  }
0x1: {  	(tag) =	ssettag $0x0;
	lr =	simm.s32 $0x1  }
0x2: {  	[smem:$0x3F9B] =	sst lr;
	_ =	strace $0xD0000000  }
0x3: {  	_ = 	snop  }
0x4: {  	_ = 	snop  }
0x5: {  	_ = 	snop  }
0x6: {  	_ = 	snop  }
0x7: {  	_ = 	snop  }
__scs_overlays_trampoline_lowered:
0x8: {  	[smem:$0x3FAA] =	sst s0  }
0x9: {  	[smem:$0x3FAB] =	sst s1  }
0xa: {  	[smem:$0x3FAC] =	sst s2  }
0xb: {  	[smem:$0x3FAD] =	sst s3  }
0xc: {  	[smem:$0x3FAE] =	sst s4  }
0xd: {  	[smem:$0x3FAF] =	sst s5  }
0xe: {  	[smem:$0x3FB0] =	sst s6  }
0xf: {  	[smem:$0x3FB1] =	sst s7  }
0x10: {  	[smem:$0x3FB2] =	sst s8  }
0x11: {  	[smem:$0x3FB3] =	sst s9;
	s0 =	simm.s32 @!p0 $0x0  }
0x12: {  	s1 =	sld [smem:$0x3F99];
	s0 =	simm.s32 @p0 $0x1  }
0x13: {  	[smem:$0x3FB4] =	sst s0;
	s0 =	simm.s32 @!p1 $0x0  }
0x14: {  	s2 =	sld [smem:$0x3F98];
	s0 =	simm.s32 @p1 $0x1  }
0x15: {  	[smem:$0x3FB5] =	sst s0;
	s0 =	simm.s32 @!p2 $0x0  }
0x16: {  	s3 =	sld [smem:$0x3FDB];
	s0 =	simm.s32 @p2 $0x1  }
0x17: {  	s4 =	simm.s32 $0x1BF5;
	[smem:$0x3FB7] =	sst s0  }
0x18: {  	s0 =	sld [smem:$0x3F9A];
	_ =	swait.ge [sflag:s4], $0x0  }
0x19: {  	s7 =	sld [smem:$0x3F9B]  }
0x1a: {  	s8 =	sadd.s32 $0xFFFFE003, lr  }
0x1b: {  	s9 =	sadd.s32 $0xFFFFFEF7, lr;
	s5 =	simm.s32 $0xFFFFFFFF;
	p2 =	slt.u32 s8, $0xFFFFF086  }
0x1c: {  	p1 =	slt.u32 s9, $0xF7A;
	s5 =	simm.s32 @!p2 $0x0  }
0x1d: {  	s5 =	simm.s32 @p1 $0x1;
	p0 =	seq.s32 s7, s2  }
0x1e: {  	s7 =	smul.u32 @!p0 $0xF7A, s2;
	p2 =	seq.s32 @!p0 s5, $0x0  }
0x1f: {  	s9 =	smul.u32 $0xF7A, s1;
	s8 =	simm.s32 @!p0 $0x1BF5;
	p2 =	por !p2, p0  }
0x20: {  	[sflag:s8] =	ssyncset.s32 @!p0 $0xFFFFF086;
	s6 =	sadd.s32 @!p0 s3, s7;
	s7 =	simm.s32 @!p0 $0x108  }
0x21: {  	s3 =	sadd.s32 s3, s9;
	s6 =	sadd.s32 @!p0 $0x88, s6;
	s7 =	simm.s32 @p2 $0x1082  }
0x22: {  	[simem:s7], [sflag:s8] =	dma.local @!p0 [hbm:s6], $0xF7A  }
0x23: {  	s9 =	sor.u32 $0xD0000000, s2;
	s6 =	simm.s32 $0x108;
	_ =	swait.ge @!p0 [sflag:s8], $0x0  }
0x24: {  	s3 =	sadd.s32 $0x88, s3;
	s6 =	simm.s32 @!p1 $0x1082;
	[sflag:s4] =	ssyncset.s32 $0xFFFFF086  }
0x25: {  	[simem:s6], [sflag:s4] =	dma.local [hbm:s3], $0xF7A  }
0x26: {  	[smem:$0x3F9B] =	sst s1;
	(tag) =	ssettag s2;
	_ =	strace s9  }
0x27: {  	s1 =	sld [smem:$0x3FAB]  }
0x28: {  	s2 =	sld [smem:$0x3FAC]  }
0x29: {  	s4 =	sld [smem:$0x3FAE]  }
0x2a: {  	p0 =	seq.s32 s5, $0x0;
	s5 =	sld [smem:$0x3FAF]  }
0x2b: {  	s6 =	sld [smem:$0x3FB0]  }
0x2c: {  	s7 =	sld [smem:$0x3FB1]  }
0x2d: {  	s3 =	simm.s32 $0x108;
	s8 =	sld [smem:$0x3FB2]  }
0x2e: {  	s3 =	simm.s32 @!p0 $0x1082;
	s9 =	sld [smem:$0x3FB3]  }
0x2f: {  	lr =	sadd.s32 s0, s3;
	s0 =	sld [smem:$0x3FAA]  }
0x30: {  	s3 =	sld [smem:$0x3FAD]  }
0x31: {  	[smem:$0x3FB6] =	sst s10  }
0x32: {  	s10 =	sld [smem:$0x3FB4];
	_ =	sdelay $0x3  }
0x33: {  	p0 =	seq.s32 s10, $0x1;
	s10 =	sld [smem:$0x3FB6];
	_ =	sdelay $0x3  }
0x34: {  	[smem:$0x3FB6] =	sst s10  }
0x35: {  	s10 =	sld [smem:$0x3FB5];
	_ =	sdelay $0x3  }
0x36: {  	p1 =	seq.s32 s10, $0x1;
	s10 =	sld [smem:$0x3FB6];
	_ =	sdelay $0x3  }
0x37: {  	[smem:$0x3FB6] =	sst s10  }
0x38: {  	s10 =	sld [smem:$0x3FB7]  }
0x39: {  	_ = 	snop;
	(pc) =	sbr.ind lr, $3  }
0x3a: {  	_ = 	snop  }
0x3b: {  	_ = 	snop  }
0x3c: {  	p2 =	seq.s32 s10, $0x1;
	s10 =	sld [smem:$0x3FB6]  }
0x3d: {  	_ =	shalt  }
0x3e: {  	_ =	shalt  }
0x3f: {  	_ =	shalt  }
0x40: {  	_ =	shalt  }
0x41: {  	_ =	shalt  }
0x42: {  	_ =	shalt  }
0x43: {  	_ =	shalt  }
0x44: {  	_ =	shalt  }
0x45: {  	_ =	shalt  }
0x46: {  	_ =	shalt  }
0x47: {  	_ =	shalt  }
0x48: {  	_ =	shalt  }
0x49: {  	_ =	shalt  }
0x4a: {  	_ =	shalt  }
0x4b: {  	_ =	shalt  }
0x4c: {  	_ =	shalt  }
0x4d: {  	_ =	shalt  }
0x4e: {  	_ =	shalt  }
0x4f: {  	_ =	shalt  }
0x50: {  	_ =	shalt  }
0x51: {  	_ =	shalt  }
0x52: {  	_ =	shalt  }
0x53: {  	_ =	shalt  }
0x54: {  	_ =	shalt  }
0x55: {  	_ =	shalt  }
0x56: {  	_ =	shalt  }
0x57: {  	_ =	shalt  }
0x58: {  	_ =	shalt  }
0x59: {  	_ =	shalt  }
0x5a: {  	_ =	shalt  }
0x5b: {  	_ =	shalt  }
0x5c: {  	_ =	shalt  }
0x5d: {  	_ =	shalt  }
0x5e: {  	_ =	shalt  }
0x5f: {  	_ =	shalt  }
0x60: {  	_ =	shalt  }
0x61: {  	_ =	shalt  }
0x62: {  	_ =	shalt  }
0x63: {  	_ =	shalt  }
0x64: {  	_ =	shalt  }
0x65: {  	_ =	shalt  }
0x66: {  	_ =	shalt  }
0x67: {  	_ =	shalt  }
0x68: {  	_ =	shalt  }
0x69: {  	_ =	shalt  }
0x6a: {  	_ =	shalt  }
0x6b: {  	_ =	shalt  }
0x6c: {  	_ =	shalt  }
0x6d: {  	_ =	shalt  }
0x6e: {  	_ =	shalt  }
0x6f: {  	_ =	shalt  }
0x70: {  	_ =	shalt  }
0x71: {  	_ =	shalt  }
0x72: {  	_ =	shalt  }
0x73: {  	_ =	shalt  }
0x74: {  	_ =	shalt  }
0x75: {  	_ =	shalt  }
0x76: {  	_ =	shalt  }
0x77: {  	_ =	shalt  }
0x78: {  	_ =	shalt  }
0x79: {  	_ =	shalt  }
0x7a: {  	_ =	shalt  }
0x7b: {  	_ =	shalt  }
0x7c: {  	_ =	shalt  }
0x7d: {  	_ =	shalt  }
0x7e: {  	_ =	shalt  }
0x7f: {  	_ =	shalt  }
0x80: {  	_ =	shalt  }
0x81: {  	_ =	shalt  }
0x82: {  	_ =	shalt  }
0x83: {  	_ =	shalt  }
0x84: {  	_ =	shalt  }
0x85: {  	_ =	shalt  }
0x86: {  	_ =	shalt  }
0x87: {  	_ =	shalt  }
.Lfunc_end0:
.L_simem_size_0:
called_computation.1_lowered:
.L_overlay_start_0:
0x88: {  	s2 =	sld [smem:$0x3FD9]  }
0x89: {  	s3 =	sld [smem:$0x3FFE];
	_ =	sdelay $0x1  }
0x8a: {  	s1 =	srdreg.scid  }
0x8b: {  	s0 =	sand.u32 $0x1, s1  }
0x8c: {  	s17 =	sshll.u32 s0, $0xA;
	s2 =	sadd.s32 s3, s2  }
0x8d: {  	s2 =	sadd.s32 s2, s17  }
0x8e: {  	[smem:$0x3FC2] =	sst s2  }
0x8f: {  	_ = 	snop  }
0x90: {  	s2 =	sld [smem:$0x3FD0];
	(tm) =	ssettm $0x1  }
0x91: {  	s18 =	sld [smem:$0x3FFB];
	_ =	sdelay $0x3  }
0x92: {  	_ =	strace s18  }
0x93: {  	s3 =	sld [smem:$0x3FFC];
	_ =	sdelay $0x3  }
0x94: {  	_ =	strace s3  }
0x95: {  	s3 =	sld [smem:$0x3FFD];
	_ =	sdelay $0x3  }
0x96: {  	_ =	strace s3  }
0x97: {  	_ =	strace $0x8FFFFFFF  }
0x98: {  	s19 =	sld [smem:$0x3FDB];
	_ =	sdelay $0x1  }
0x99: {  	s4 =	simm.s32 $_scs_section_size  }
0x9a: {  	s5 =	simm.s32 $_size__tile_overlayer_lowered;
	s6 =	simm.s32 $_tile_overlayer_lowered  }
0x9b: {  	s22 =	simm.s32 $0x1BFF;
	s21 =	sshll.u32 s6, $0x1;
	s3 =	sadd.s32 s4, s19  }
0x9c: {  	s7 =	simm.s32 $0x0;
	s20 =	sshll.u32 s5, $0x1;
	s5 =	sadd.s32 s21, s3  }
0x9d: {  	[timem:s7], [sflag:s22] =	dma.local [hbm:s5], s20  }
0x9e: {  	_ =	swait.ge [sflag:s22], s20  }
0x9f: {  	s4 =	ssub.s32 $0x0, s20;
	[sflag:s22] =	ssyncset.done $0x0  }
0xa0: {  	[sflag:s22] =	ssyncadd.s32 s4;
	_ =	sdelay $0x1  }
0xa1: {  	s23 =	simm.s32 $0x1B8B  }
0xa2: {  	_ =	swait.ge [sflag:s23], $0x1  }
0xa3: {  	[sflag:s23] =	ssyncset.done $0x0  }
0xa4: {  	s25 =	simm.s32 $0x1B8E;
	s24 =	sld [smem:$0x3FFE];
	[sflag:s23] =	ssyncadd.s32 $0xFFFFFFFF  }
0xa5: {  	s26 =	simm.s32 $execute0_lowered;
	[smem:$0x3FD2] =	sst s25  }
0xa6: {  	s5 =	sshll.u32 s26, $0x1;
	_ =	strace $0x80000049;
	[dreg:$0x1] =	wrdreg $0xFFFFFFFF  }
0xa7: {  	s28 =	simm.s32 $_size_execute0_lowered;
	s3 =	sadd.s32 s3, s5;
	[dreg:$0x0] =	wrdreg $0x0  }
0xa8: {  	s5 =	sshll.u32 s28, $0x1;
	[dreg:$0x2] =	wrdreg s3  }
0xa9: {  	[dreg:$0x3] =	wrdreg s5  }
0xaa: {  	[dreg:$0x4] =	wrdreg $0xC0  }
0xab: {  	_ =	task [dreg:s7], $0x5FFFF  }
0xac: {  	[dreg:$0x1] =	wrdreg $0xFFFFFFFF  }
0xad: {  	[dreg:$0x0] =	wrdreg $0x60  }
0xae: {  	[dreg:$0x2] =	wrdreg s24  }
0xaf: {  	[dreg:$0x3] =	wrdreg s2  }
0xb0: {  	[dreg:$0x4] =	wrdreg $0x82000  }
0xb1: {  	[dreg:$0x5] =	wrdreg $0x9  }
0xb2: {  	_ =	task.clear_ibuf [dreg:s7], $0x6FFFF;
	_ =	strace $0x90000049  }
0xb3: {  	s29 =	simm.s32 $0x9;
	_ =	strace $0x8000004B  }
0xb4: {  	_ =	swait.ge [sflag:s29], $0x1  }
0xb5: {  	[sflag:s29] =	ssyncadd.s32 $0xFFFFFFFF  }
0xb6: {  	_ =	strace $0x9000004B  }
0xb7: {  	_ =	sfence  }
0xb8: {  	s30 =	sld [smem:$0x0];
	_ =	sdelay $0x2  }
0xb9: {  	s31 =	sshll.u32 s1, $0xD;
	s1 =	sshrl.u32 s1, $0x2  }
0xba: {  	s3 =	sand.u32 $0x4000, s31;
	s1 =	sadd.s32 s1, s30  }
0xbb: {  	s0 =	sor.u32 s3, s0;
	s1 =	sshll.u32 s1, $0x11  }
0xbc: {  	s0 =	sor.u32 s1, s0  }
0xbd: {  	s0 =	sadd.s32 $0x8F2B, s0  }
0xbe: {  	[sflag:s0] =	ssyncadd.remote.s32 $0x1  }
0xbf: {  	_ =	sfence.sel $0xFFFF  }
0xc0: {  	[dreg:$0x0] =	wrdreg $0xFFFFFFFF;
	(pc) =	sbr.abs _section_cstart, $3  }
0xc1: {  	[dreg:$0x1] =	wrdreg $0xFFFFFFFF  }
0xc2: {  	_ =	task.clear_ibuf [dreg:s7], $0x2FFFF;
	_ =	strace $0x9FFFFFFF  }
0xc3: {  	(tm) =	ssettm $0x7FFFFFFF  }
tec
execute0_lowered:
.L_overlay_start_1:
0x0: {  	(tag) =	ssettag $0x1  }
0x1: {  	s1 =	srdreg.scid  }
0x2: {  	s1 =	sand.u32 $0x1, s1  }
0x3: {  	p0 =	seq.s32 s1, $0x1  }
.Ltmp0:
0x4: {  	s2 =	rddreg [dreg:$0x0];
	(pc) =	sbr.rel @p0 .LBB2_7-.Ltmp0, $4  }
0x5: {  	s14 =	rddreg [dreg:$0x1]  }
0x6: {  	s3 =	rddreg [dreg:$0x2];
	s4 =	simm.s32 $0x0  }
0x7: {  	[smem:$0x7FF] =	sst s4  }
0x8: {  	s0 =	rddreg [dreg:$0x3];
	_ =	strace $0x8000004A;
	s1 =	stileid.u32  }
0x9: {  	s8 =	smul.u32 $0x14000, s1  }
0xa: {  	s12 =	sadd.s32 $0x16000, s2;
	s15 =	sadd.s32 $0xC000, s2;
	s16 =	sadd.s32 $0x3E000, s2  }
0xb: {  	s11 =	smul.u32 $0x5000, s1;
	s9 =	sadd.s32 $0x4000, s8;
	s10 =	sadd.s32 $0x8000, s8  }
0xc: {  	s7 =	sadd.s32 s8, s3;
	s17 =	sadd.s32 $0xC000, s8;
	s18 =	sadd.s32 $0x10000, s8  }
0xd: {  	s13 =	sshrl.u32 s11, $0x3;
	s19 =	sor.u32 $0x80, s11;
	s8 =	sshrl.u32 s8, $0x3  }
0xe: {  	s20 =	sor.u32 $0x100, s11;
	s6 =	sadd.s32 s9, s3;
	s5 =	sadd.s32 s10, s3  }
0xf: {  	s4 =	sadd.s32 s17, s3;
	s2 =	sadd.s32 s18, s3;
	s21 =	sadd.s32 s15, s13  }
0x10: {  	s22 =	sadd.s32 s14, s13;
	s13 =	sadd.s32 s16, s8;
	s25 =	sshrl.u32 s9, $0x3  }
0x11: {  	s26 =	sshrl.u32 s10, $0x3;
	s28 =	sshrl.u32 s17, $0x3;
	s29 =	sshrl.u32 s18, $0x3  }
0x12: {  	s30 =	sshrl.u32 s19, $0x3;
	s31 =	sshrl.u32 s20, $0x3;
	s17 =	simm.s32 $0x200  }
0x13: {  	s11 =	sadd.s32 s16, s25;
	s10 =	sadd.s32 s16, s26;
	s9 =	sadd.s32 s16, s28  }
0x14: {  	s8 =	sadd.s32 s16, s29;
	s24 =	sadd.s32 s15, s30;
	s23 =	sadd.s32 s14, s30  }
0x15: {  	v0 =	vimm.f32 $0.0e+00;
	s19 =	sadd.s32 s15, s31;
	s18 =	sadd.s32 s14, s31;
	s16 =	simm.s32 $0x0  }
.LBB2_2:
0x16: {  	p0 =	sne.s32 s17, $0xFE00;
	[tilespmem:s16+$0x270] =	vst v0  }
0x17: {  	[tilespmem:s16+$0x200] =	vst v0  }
0x18: {  	[tilespmem:s16+$0x210] =	vst v0  }
.Ltmp1:
0x19: {  	[tilespmem:s16+$0x220] =	vst v0;
	(pc) =	sbr.rel @p0 .LBB2_2-.Ltmp1, $4  }
0x1a: {  	[tilespmem:s16+$0x230] =	vst v0  }
0x1b: {  	[tilespmem:s16+$0x240] =	vst v0  }
0x1c: {  	[tilespmem:s16+$0x250] =	vst v0  }
0x1d: {  	[tilespmem:s16+$0x260] =	vst v0;
	s16 =	sshra.s32 s17, $0x2;
	s17 =	sadd.s32 $0x200, s17  }
0x1e: {  	[tilespmem:s16+$0x270] =	vst v0  }
0x1f: {  	[tilespmem:s16+$0x200] =	vst v0  }
0x20: {  	[tilespmem:s16+$0x210] =	vst v0  }
0x21: {  	[tilespmem:s16+$0x220] =	vst v0  }
0x22: {  	[tilespmem:s16+$0x230] =	vst v0  }
0x23: {  	[tilespmem:s16+$0x240] =	vst v0  }
0x24: {  	[tilespmem:s16+$0x250] =	vst v0  }
0x25: {  	[tilespmem:s16+$0x260] =	vst v0;
	s16 =	simm.s32 $0x200;
	s17 =	simm.s32 $0x5  }
0x26: {  	[spmem:s7] =	stream.linear.scatter [tilespmem:s16], [sflag:$0x5], $0x4000, $0x38;
	[tilespmem:$0x1C200] =	vst v63  }
0x27: {  	_ =	swait.ge [sflag:s17], $0x4000  }
0x28: {  	[sflag:s17] =	ssyncset.done $0x0  }
0x29: {  	[sflag:s17] =	ssyncadd.s32 $0xFFFFC000  }
0x2a: {  	[spmem:s6] =	stream.linear.scatter [tilespmem:s16], [sflag:$0x5], $0x4000, $0x38;
	[tilespmem:$0x1C200] =	vst v63  }
0x2b: {  	_ =	swait.ge [sflag:s17], $0x4000  }
0x2c: {  	[sflag:s17] =	ssyncset.done $0x0  }
0x2d: {  	[sflag:s17] =	ssyncadd.s32 $0xFFFFC000  }
0x2e: {  	[spmem:s5] =	stream.linear.scatter [tilespmem:s16], [sflag:$0x5], $0x4000, $0x38;
	[tilespmem:$0x1C200] =	vst v63  }
0x2f: {  	_ =	swait.ge [sflag:s17], $0x4000  }
0x30: {  	[sflag:s17] =	ssyncset.done $0x0  }
0x31: {  	[sflag:s17] =	ssyncadd.s32 $0xFFFFC000  }
0x32: {  	[spmem:s4] =	stream.linear.scatter [tilespmem:s16], [sflag:$0x5], $0x4000, $0x38;
	[tilespmem:$0x1C200] =	vst v63  }
0x33: {  	_ =	swait.ge [sflag:s17], $0x4000  }
0x34: {  	[sflag:s17] =	ssyncset.done $0x0  }
0x35: {  	[sflag:s17] =	ssyncadd.s32 $0xFFFFC000  }
0x36: {  	[spmem:s2] =	stream.linear.scatter [tilespmem:s16], [sflag:$0x5], $0x4000, $0x38;
	[tilespmem:$0x1C200] =	vst v63  }
0x37: {  	_ =	swait.ge [sflag:s17], $0x4000  }
0x38: {  	[sflag:s17] =	ssyncset.done $0x0  }
0x39: {  	[sflag:s17] =	ssyncadd.s32 $0xFFFFC000  }
0x3a: {  	s20 =	simm.s32 $0x0;
	[bflag:$0x0] =	sbarrier.arrive $0xFFFF  }
0x3b: {  	[tilespmem:s20], [sflag:$0x3] =	stream.linear.gather [hbm4b:s21+s20], $0x80, $0x38;
	[tilespmem:$0x1C200] =	vst v63  }
0x3c: {  	s21 =	simm.s32 $0x100  }
0x3d: {  	[tilespmem:s21], [sflag:$0x3] =	stream.linear.gather [hbm4b:s22+s20], $0x80, $0x38;
	[tilespmem:$0x1C200] =	vst v63  }
0x3e: {  	s22 =	simm.s32 $0x3  }
0x3f: {  	_ =	swait.ge [sflag:s22], $0x80  }
0x40: {  	[sflag:s22] =	ssyncset.done $0x0  }
0x41: {  	[sflag:s22] =	ssyncadd.s32 $0xFFFFFF80  }
0x42: {  	_ =	swait.ge [sflag:s22], $0x80  }
0x43: {  	[sflag:s22] =	ssyncset.done $0x0  }
0x44: {  	s25 =	simm.s32 $0x80;
	[sflag:s22] =	ssyncadd.s32 $0xFFFFFF80  }
0x45: {  	[tilespmem:s16], [sflag:$0x1] =	stream.indirect.gather [hbm4b:s12+s25], $0x80, s20, s25, $0xb8;
	[tilespmem:$0x1C200] =	vst v63  }
0x46: {  	_ = 	snop  }
0x47: {  	[tilespmem:s25], [sflag:$0x4] =	stream.linear.gather [hbm4b:s24+s20], $0x80, $0x38;
	[tilespmem:$0x1C200] =	vst v63  }
0x48: {  	s24 =	simm.s32 $0x180  }
0x49: {  	[tilespmem:s24], [sflag:$0x4] =	stream.linear.gather [hbm4b:s23+s20], $0x80, $0x38;
	[tilespmem:$0x1C200] =	vst v63  }
0x4a: {  	s23 =	simm.s32 $0x4  }
0x4b: {  	_ =	swait.ge [sflag:s23], $0x80  }
0x4c: {  	[sflag:s23] =	ssyncset.done $0x0  }
0x4d: {  	[sflag:s23] =	ssyncadd.s32 $0xFFFFFF80  }
0x4e: {  	_ =	swait.ge [sflag:s23], $0x80  }
0x4f: {  	[sflag:s23] =	ssyncset.done $0x0  }
0x50: {  	s26 =	simm.s32 $0x4200;
	s28 =	simm.s32 $0x1;
	[sflag:s23] =	ssyncadd.s32 $0xFFFFFF80  }
0x51: {  	[tilespmem:s26], [sflag:$0x2] =	stream.indirect.gather [hbm4b:s12+s25], $0x80, s25, s25, $0xb8;
	[tilespmem:$0x1C200] =	vst v63  }
0x52: {  	_ =	swait.ge [sflag:s28], $0x4000  }
0x53: {  	[sflag:s28] =	ssyncset.done $0x0  }
0x54: {  	[sflag:s28] =	ssyncadd.s32 $0xFFFFC000  }
0x55: {  	[spmem:s3] =	stream.indirect.scatter.add.f32 [tilespmem:s16], [sflag:$0x5], $0x80, s21, s25, $0xb8;
	[tilespmem:$0x1C200] =	vst v63  }
0x56: {  	_ =	swait.ge [sflag:s17], $0x4000  }
0x57: {  	[sflag:s17] =	ssyncset.done $0x0  }
0x58: {  	s31 =	smul.u32 $0xA00, s1;
	[sflag:s17] =	ssyncadd.s32 $0xFFFFC000  }
0x59: {  	[tilespmem:s20], [sflag:$0x3] =	stream.linear.gather [hbm4b:s19+s20], $0x80, $0x38;
	[tilespmem:$0x1C200] =	vst v63  }
0x5a: {  	s14 =	sadd.s32 s31, s14  }
0x5b: {  	[tilespmem:s21], [sflag:$0x3] =	stream.linear.gather [hbm4b:s18+s20], $0x80, $0x38;
	[tilespmem:$0x1C200] =	vst v63  }
0x5c: {  	s15 =	sadd.s32 s31, s15;
	s19 =	simm.s32 $0x2;
	s18 =	simm.s32 $0xFFFFF640  }
.LBB2_4:
0x5d: {  	_ =	swait.ge [sflag:s22], $0x80  }
0x5e: {  	[sflag:s22] =	ssyncset.done $0x0  }
0x5f: {  	[sflag:s22] =	ssyncadd.s32 $0xFFFFFF80  }
0x60: {  	_ =	swait.ge [sflag:s22], $0x80  }
0x61: {  	[sflag:s22] =	ssyncset.done $0x0  }
0x62: {  	[sflag:s22] =	ssyncadd.s32 $0xFFFFFF80  }
0x63: {  	[tilespmem:s16], [sflag:$0x1] =	stream.indirect.gather [hbm4b:s12+s25], $0x80, s20, s25, $0xb8;
	[tilespmem:$0x1C200] =	vst v63  }
0x64: {  	_ =	swait.ge [sflag:s19], $0x4000  }
0x65: {  	[sflag:s19] =	ssyncset.done $0x0  }
0x66: {  	[sflag:s19] =	ssyncadd.s32 $0xFFFFC000  }
0x67: {  	[spmem:s3] =	stream.indirect.scatter.add.f32 [tilespmem:s26], [sflag:$0x5], $0x80, s24, s25, $0xb8;
	[tilespmem:$0x1C200] =	vst v63  }
0x68: {  	_ =	swait.ge [sflag:s17], $0x4000  }
0x69: {  	s29 =	sadd.s32 s18, s15;
	[sflag:s17] =	ssyncset.done $0x0  }
0x6a: {  	s30 =	sadd.s32 $0x9F0, s29;
	[sflag:s17] =	ssyncadd.s32 $0xFFFFC000  }
0x6b: {  	[tilespmem:s25], [sflag:$0x4] =	stream.linear.gather [hbm4b:s30+s20], $0x80, $0x38;
	[tilespmem:$0x1C200] =	vst v63  }
0x6c: {  	s30 =	sadd.s32 s18, s14  }
0x6d: {  	s31 =	sadd.s32 $0x9F0, s30  }
0x6e: {  	[tilespmem:s24], [sflag:$0x4] =	stream.linear.gather [hbm4b:s31+s20], $0x80, $0x38;
	[tilespmem:$0x1C200] =	vst v63  }
0x6f: {  	_ =	swait.ge [sflag:s23], $0x80  }
0x70: {  	[sflag:s23] =	ssyncset.done $0x0  }
0x71: {  	[sflag:s23] =	ssyncadd.s32 $0xFFFFFF80  }
0x72: {  	_ =	swait.ge [sflag:s23], $0x80  }
0x73: {  	[sflag:s23] =	ssyncset.done $0x0  }
0x74: {  	[sflag:s23] =	ssyncadd.s32 $0xFFFFFF80  }
0x75: {  	[tilespmem:s26], [sflag:$0x2] =	stream.indirect.gather [hbm4b:s12+s25], $0x80, s25, s25, $0xb8;
	[tilespmem:$0x1C200] =	vst v63  }
0x76: {  	_ =	swait.ge [sflag:s28], $0x4000  }
0x77: {  	p0 =	seq.s32 s18, $0x0;
	[sflag:s28] =	ssyncset.done $0x0  }
.Ltmp2:
0x78: {  	[sflag:s28] =	ssyncadd.s32 $0xFFFFC000;
	(pc) =	sbr.rel @p0 .LBB2_6-.Ltmp2, $4  }
0x79: {  	[spmem:s3] =	stream.indirect.scatter.add.f32 [tilespmem:s16], [sflag:$0x5], $0x80, s21, s25, $0xb8;
	[tilespmem:$0x1C200] =	vst v63  }
0x7a: {  	_ =	swait.ge [sflag:s17], $0x4000  }
0x7b: {  	[sflag:s17] =	ssyncset.done $0x0  }
0x7c: {  	[sflag:s17] =	ssyncadd.s32 $0xFFFFC000  }
.Ltmp3:
0x7d: {  	(pc) =	sbr.rel .LBB2_4-.Ltmp3, $4  }
0x7e: {  	s29 =	sadd.s32 $0xA00, s29  }
0x7f: {  	[tilespmem:s20], [sflag:$0x3] =	stream.linear.gather [hbm4b:s29+s20], $0x80, $0x38;
	[tilespmem:$0x1C200] =	vst v63  }
0x80: {  	s31 =	sadd.s32 $0xA00, s30;
	s18 =	sadd.s32 $0x20, s18  }
0x81: {  	[tilespmem:s21], [sflag:$0x3] =	stream.linear.gather [hbm4b:s31+s20], $0x80, $0x38;
	[tilespmem:$0x1C200] =	vst v63  }
.LBB2_6:
0x82: {  	s12 =	simm.s32 $0x2  }
0x83: {  	_ =	swait.ge [sflag:s12], $0x4000  }
0x84: {  	s29 =	simm.s32 $0x80;
	s14 =	simm.s32 $0x180;
	[sflag:s12] =	ssyncset.done $0x0  }
0x85: {  	s15 =	simm.s32 $0x4200;
	s30 =	simm.s32 $0x5;
	[sflag:s12] =	ssyncadd.s32 $0xFFFFC000  }
0x86: {  	[spmem:s3] =	stream.indirect.scatter.add.f32 [tilespmem:s15], [sflag:$0x5], $0x80, s14, s29, $0xb8;
	[tilespmem:$0x1C200] =	vst v63  }
0x87: {  	_ =	swait.ge [sflag:s30], $0x4000  }
0x88: {  	[sflag:s30] =	ssyncset.done $0x0  }
0x89: {  	s31 =	sshll.u32 s1, $0x6;
	[sflag:s30] =	ssyncadd.s32 $0xFFFFC000  }
0x8a: {  	s7 =	sshrl.u32 s7, $0x3;
	s12 =	sor.u32 $0x1C05, s31;
	[bflag:$0x0] =	sbarrier.arrive $0xFFFF  }
0x8b: {  	[hbm:s13], [sflag:s12] =	dma.local [spmem:s7], $0x800  }
0x8c: {  	_ =	swait.ge [sflag:s30], $0x800  }
0x8d: {  	[sflag:s30] =	ssyncset.done $0x0  }
0x8e: {  	s6 =	sshrl.u32 s6, $0x3;
	[sflag:s30] =	ssyncadd.s32 $0xFFFFF800  }
0x8f: {  	[hbm:s11], [sflag:s12] =	dma.local [spmem:s6], $0x800  }
0x90: {  	_ =	swait.ge [sflag:s30], $0x800  }
0x91: {  	[sflag:s30] =	ssyncset.done $0x0  }
0x92: {  	s5 =	sshrl.u32 s5, $0x3;
	[sflag:s30] =	ssyncadd.s32 $0xFFFFF800  }
0x93: {  	[hbm:s10], [sflag:s12] =	dma.local [spmem:s5], $0x800  }
0x94: {  	_ =	swait.ge [sflag:s30], $0x800  }
0x95: {  	[sflag:s30] =	ssyncset.done $0x0  }
0x96: {  	s4 =	sshrl.u32 s4, $0x3;
	[sflag:s30] =	ssyncadd.s32 $0xFFFFF800  }
0x97: {  	[hbm:s9], [sflag:s12] =	dma.local [spmem:s4], $0x800  }
0x98: {  	_ =	swait.ge [sflag:s30], $0x800  }
0x99: {  	[sflag:s30] =	ssyncset.done $0x0  }
0x9a: {  	s2 =	sshrl.u32 s2, $0x3;
	[sflag:s30] =	ssyncadd.s32 $0xFFFFF800  }
0x9b: {  	[hbm:s8], [sflag:s12] =	dma.local [spmem:s2], $0x800  }
0x9c: {  	_ =	swait.ge [sflag:s30], $0x800  }
0x9d: {  	[sflag:s30] =	ssyncset.done $0x0  }
0x9e: {  	[sflag:s30] =	ssyncadd.s32 $0xFFFFF800  }
.LBB2_7:
0x9f: {  	_ =	sfence.sel $0x180000  }
0xa0: {  	[bflag:$0x0] =	sbarrier.arrive $0xFFFF  }
0xa1: {  	p0 =	sne.s32 s1, $0x0;
	_ =	strace $0x9000004A  }
0xa2: {  	s0 =	sadd.s32 @!p0 $0x100000, s0;
	[bflag:$0x2] =	sbarrier.arrive $0xFFFF  }
0xa3: {  	[sflag:s0] =	ssyncadd.tile.s32 @!p0 $0x1;
	_ =	shalt  }
.Lfunc_end2:
_tile_overlayer_lowered:
.L_overlay_start_2:
0xa4: {  	(tag) =	ssettag $0x2  }
0xa5: {  	s0 =	rddreg [dreg:$0x0];
	s2 =	stileid.u32  }
0xa6: {  	s1 =	rddreg [dreg:$0x1];
	p0 =	sne.s32 s2, $0x0  }
0xa7: {  	s3 =	rddreg [dreg:$0x2];
	[bflag:$0x3] =	sbarrier.arrive $0xFFFF;
	s2 =	simm.s32 @!p0 $0x1C05  }
0xa8: {  	[timem:s3], [sflag:s2] =	dma.local @!p0 [hbm:s0], s1  }
0xa9: {  	s0 =	simm.s32 @!p0 $0x5  }
0xaa: {  	_ =	swait.ge @!p0 [sflag:s0], s1  }
0xab: {  	s1 =	ssub.s32 @!p0 $0x0, s1;
	[sflag:s0] =	ssyncset.done @!p0 $0x0  }
0xac: {  	[sflag:s0] =	ssyncadd.s32 @!p0 s1  }
0xad: {  	[bflag:$0x3] =	sbarrier.arrive $0xFFFF  }
0xae: {  	_ =	shalt  }

// kernel: kernel.14.cloned.1.call-start
scs
__scs_entry_jumppad:
0x0: {  	(pc) =	sbr.rel $0x88, $3  }
0x1: {  	(tag) =	ssettag $0x0;
	lr =	simm.s32 $0x1  }
0x2: {  	[smem:$0x3F9B] =	sst lr;
	_ =	strace $0xD0000000  }
0x3: {  	_ = 	snop  }
0x4: {  	_ = 	snop  }
0x5: {  	_ = 	snop  }
0x6: {  	_ = 	snop  }
0x7: {  	_ = 	snop  }
__scs_overlays_trampoline_lowered:
0x8: {  	[smem:$0x3FAA] =	sst s0  }
0x9: {  	[smem:$0x3FAB] =	sst s1  }
0xa: {  	[smem:$0x3FAC] =	sst s2  }
0xb: {  	[smem:$0x3FAD] =	sst s3  }
0xc: {  	[smem:$0x3FAE] =	sst s4  }
0xd: {  	[smem:$0x3FAF] =	sst s5  }
0xe: {  	[smem:$0x3FB0] =	sst s6  }
0xf: {  	[smem:$0x3FB1] =	sst s7  }
0x10: {  	[smem:$0x3FB2] =	sst s8  }
0x11: {  	[smem:$0x3FB3] =	sst s9;
	s0 =	simm.s32 @!p0 $0x0  }
0x12: {  	s1 =	sld [smem:$0x3F99];
	s0 =	simm.s32 @p0 $0x1  }
0x13: {  	[smem:$0x3FB4] =	sst s0;
	s0 =	simm.s32 @!p1 $0x0  }
0x14: {  	s2 =	sld [smem:$0x3F98];
	s0 =	simm.s32 @p1 $0x1  }
0x15: {  	[smem:$0x3FB5] =	sst s0;
	s0 =	simm.s32 @!p2 $0x0  }
0x16: {  	s3 =	sld [smem:$0x3FDB];
	s0 =	simm.s32 @p2 $0x1  }
0x17: {  	s4 =	simm.s32 $0x1BF5;
	[smem:$0x3FB7] =	sst s0  }
0x18: {  	s0 =	sld [smem:$0x3F9A];
	_ =	swait.ge [sflag:s4], $0x0  }
0x19: {  	s7 =	sld [smem:$0x3F9B]  }
0x1a: {  	s8 =	sadd.s32 $0xFFFFE003, lr  }
0x1b: {  	s9 =	sadd.s32 $0xFFFFFEF7, lr;
	s5 =	simm.s32 $0xFFFFFFFF;
	p2 =	slt.u32 s8, $0xFFFFF086  }
0x1c: {  	p1 =	slt.u32 s9, $0xF7A;
	s5 =	simm.s32 @!p2 $0x0  }
0x1d: {  	s5 =	simm.s32 @p1 $0x1;
	p0 =	seq.s32 s7, s2  }
0x1e: {  	s7 =	smul.u32 @!p0 $0xF7A, s2;
	p2 =	seq.s32 @!p0 s5, $0x0  }
0x1f: {  	s9 =	smul.u32 $0xF7A, s1;
	s8 =	simm.s32 @!p0 $0x1BF5;
	p2 =	por !p2, p0  }
0x20: {  	[sflag:s8] =	ssyncset.s32 @!p0 $0xFFFFF086;
	s6 =	sadd.s32 @!p0 s3, s7;
	s7 =	simm.s32 @!p0 $0x108  }
0x21: {  	s3 =	sadd.s32 s3, s9;
	s6 =	sadd.s32 @!p0 $0x88, s6;
	s7 =	simm.s32 @p2 $0x1082  }
0x22: {  	[simem:s7], [sflag:s8] =	dma.local @!p0 [hbm:s6], $0xF7A  }
0x23: {  	s9 =	sor.u32 $0xD0000000, s2;
	s6 =	simm.s32 $0x108;
	_ =	swait.ge @!p0 [sflag:s8], $0x0  }
0x24: {  	s3 =	sadd.s32 $0x88, s3;
	s6 =	simm.s32 @!p1 $0x1082;
	[sflag:s4] =	ssyncset.s32 $0xFFFFF086  }
0x25: {  	[simem:s6], [sflag:s4] =	dma.local [hbm:s3], $0xF7A  }
0x26: {  	[smem:$0x3F9B] =	sst s1;
	(tag) =	ssettag s2;
	_ =	strace s9  }
0x27: {  	s1 =	sld [smem:$0x3FAB]  }
0x28: {  	s2 =	sld [smem:$0x3FAC]  }
0x29: {  	s4 =	sld [smem:$0x3FAE]  }
0x2a: {  	p0 =	seq.s32 s5, $0x0;
	s5 =	sld [smem:$0x3FAF]  }
0x2b: {  	s6 =	sld [smem:$0x3FB0]  }
0x2c: {  	s7 =	sld [smem:$0x3FB1]  }
0x2d: {  	s3 =	simm.s32 $0x108;
	s8 =	sld [smem:$0x3FB2]  }
0x2e: {  	s3 =	simm.s32 @!p0 $0x1082;
	s9 =	sld [smem:$0x3FB3]  }
0x2f: {  	lr =	sadd.s32 s0, s3;
	s0 =	sld [smem:$0x3FAA]  }
0x30: {  	s3 =	sld [smem:$0x3FAD]  }
0x31: {  	[smem:$0x3FB6] =	sst s10  }
0x32: {  	s10 =	sld [smem:$0x3FB4];
	_ =	sdelay $0x3  }
0x33: {  	p0 =	seq.s32 s10, $0x1;
	s10 =	sld [smem:$0x3FB6];
	_ =	sdelay $0x3  }
0x34: {  	[smem:$0x3FB6] =	sst s10  }
0x35: {  	s10 =	sld [smem:$0x3FB5];
	_ =	sdelay $0x3  }
0x36: {  	p1 =	seq.s32 s10, $0x1;
	s10 =	sld [smem:$0x3FB6];
	_ =	sdelay $0x3  }
0x37: {  	[smem:$0x3FB6] =	sst s10  }
0x38: {  	s10 =	sld [smem:$0x3FB7]  }
0x39: {  	_ = 	snop;
	(pc) =	sbr.ind lr, $3  }
0x3a: {  	_ = 	snop  }
0x3b: {  	_ = 	snop  }
0x3c: {  	p2 =	seq.s32 s10, $0x1;
	s10 =	sld [smem:$0x3FB6]  }
0x3d: {  	_ =	shalt  }
0x3e: {  	_ =	shalt  }
0x3f: {  	_ =	shalt  }
0x40: {  	_ =	shalt  }
0x41: {  	_ =	shalt  }
0x42: {  	_ =	shalt  }
0x43: {  	_ =	shalt  }
0x44: {  	_ =	shalt  }
0x45: {  	_ =	shalt  }
0x46: {  	_ =	shalt  }
0x47: {  	_ =	shalt  }
0x48: {  	_ =	shalt  }
0x49: {  	_ =	shalt  }
0x4a: {  	_ =	shalt  }
0x4b: {  	_ =	shalt  }
0x4c: {  	_ =	shalt  }
0x4d: {  	_ =	shalt  }
0x4e: {  	_ =	shalt  }
0x4f: {  	_ =	shalt  }
0x50: {  	_ =	shalt  }
0x51: {  	_ =	shalt  }
0x52: {  	_ =	shalt  }
0x53: {  	_ =	shalt  }
0x54: {  	_ =	shalt  }
0x55: {  	_ =	shalt  }
0x56: {  	_ =	shalt  }
0x57: {  	_ =	shalt  }
0x58: {  	_ =	shalt  }
0x59: {  	_ =	shalt  }
0x5a: {  	_ =	shalt  }
0x5b: {  	_ =	shalt  }
0x5c: {  	_ =	shalt  }
0x5d: {  	_ =	shalt  }
0x5e: {  	_ =	shalt  }
0x5f: {  	_ =	shalt  }
0x60: {  	_ =	shalt  }
0x61: {  	_ =	shalt  }
0x62: {  	_ =	shalt  }
0x63: {  	_ =	shalt  }
0x64: {  	_ =	shalt  }
0x65: {  	_ =	shalt  }
0x66: {  	_ =	shalt  }
0x67: {  	_ =	shalt  }
0x68: {  	_ =	shalt  }
0x69: {  	_ =	shalt  }
0x6a: {  	_ =	shalt  }
0x6b: {  	_ =	shalt  }
0x6c: {  	_ =	shalt  }
0x6d: {  	_ =	shalt  }
0x6e: {  	_ =	shalt  }
0x6f: {  	_ =	shalt  }
0x70: {  	_ =	shalt  }
0x71: {  	_ =	shalt  }
0x72: {  	_ =	shalt  }
0x73: {  	_ =	shalt  }
0x74: {  	_ =	shalt  }
0x75: {  	_ =	shalt  }
0x76: {  	_ =	shalt  }
0x77: {  	_ =	shalt  }
0x78: {  	_ =	shalt  }
0x79: {  	_ =	shalt  }
0x7a: {  	_ =	shalt  }
0x7b: {  	_ =	shalt  }
0x7c: {  	_ =	shalt  }
0x7d: {  	_ =	shalt  }
0x7e: {  	_ =	shalt  }
0x7f: {  	_ =	shalt  }
0x80: {  	_ =	shalt  }
0x81: {  	_ =	shalt  }
0x82: {  	_ =	shalt  }
0x83: {  	_ =	shalt  }
0x84: {  	_ =	shalt  }
0x85: {  	_ =	shalt  }
0x86: {  	_ =	shalt  }
0x87: {  	_ =	shalt  }
.Lfunc_end0:
.L_simem_size_0:
called_computation.2_lowered:
.L_overlay_start_0:
0x88: {  	s2 =	sld [smem:$0x3FD9]  }
0x89: {  	s3 =	sld [smem:$0x3FFE];
	_ =	sdelay $0x1  }
0x8a: {  	s1 =	srdreg.scid  }
0x8b: {  	s0 =	sand.u32 $0x1, s1  }
0x8c: {  	s17 =	sshll.u32 s0, $0xA;
	s2 =	sadd.s32 s3, s2  }
0x8d: {  	s2 =	sadd.s32 s2, s17  }
0x8e: {  	[smem:$0x3FC2] =	sst s2  }
0x8f: {  	_ = 	snop  }
0x90: {  	s2 =	sld [smem:$0x3FD0];
	(tm) =	ssettm $0x1  }
0x91: {  	s18 =	sld [smem:$0x3FFB];
	_ =	sdelay $0x3  }
0x92: {  	_ =	strace s18  }
0x93: {  	s3 =	sld [smem:$0x3FFC];
	_ =	sdelay $0x3  }
0x94: {  	_ =	strace s3  }
0x95: {  	s3 =	sld [smem:$0x3FFD];
	_ =	sdelay $0x3  }
0x96: {  	_ =	strace s3  }
0x97: {  	_ =	strace $0x8FFFFFFF  }
0x98: {  	s19 =	sld [smem:$0x3FDB];
	_ =	sdelay $0x1  }
0x99: {  	s4 =	simm.s32 $_scs_section_size  }
0x9a: {  	s5 =	simm.s32 $_size__tile_overlayer_lowered;
	s6 =	simm.s32 $_tile_overlayer_lowered  }
0x9b: {  	s22 =	simm.s32 $0x1BFF;
	s21 =	sshll.u32 s6, $0x1;
	s3 =	sadd.s32 s4, s19  }
0x9c: {  	s7 =	simm.s32 $0x0;
	s20 =	sshll.u32 s5, $0x1;
	s5 =	sadd.s32 s21, s3  }
0x9d: {  	[timem:s7], [sflag:s22] =	dma.local [hbm:s5], s20  }
0x9e: {  	_ =	swait.ge [sflag:s22], s20  }
0x9f: {  	s4 =	ssub.s32 $0x0, s20;
	[sflag:s22] =	ssyncset.done $0x0  }
0xa0: {  	[sflag:s22] =	ssyncadd.s32 s4;
	_ =	sdelay $0x1  }
0xa1: {  	s23 =	simm.s32 $0x1B8B  }
0xa2: {  	_ =	swait.ge [sflag:s23], $0x1  }
0xa3: {  	[sflag:s23] =	ssyncset.done $0x0  }
0xa4: {  	s25 =	simm.s32 $0x1B8E;
	s24 =	sld [smem:$0x3FFE];
	[sflag:s23] =	ssyncadd.s32 $0xFFFFFFFF  }
0xa5: {  	s26 =	simm.s32 $execute0_lowered;
	[smem:$0x3FD2] =	sst s25  }
0xa6: {  	s5 =	sshll.u32 s26, $0x1;
	_ =	strace $0x8000004C;
	[dreg:$0x1] =	wrdreg $0xFFFFFFFF  }
0xa7: {  	s28 =	simm.s32 $_size_execute0_lowered;
	s3 =	sadd.s32 s3, s5;
	[dreg:$0x0] =	wrdreg $0x0  }
0xa8: {  	s5 =	sshll.u32 s28, $0x1;
	[dreg:$0x2] =	wrdreg s3  }
0xa9: {  	[dreg:$0x3] =	wrdreg s5  }
0xaa: {  	[dreg:$0x4] =	wrdreg $0xC0  }
0xab: {  	_ =	task [dreg:s7], $0x5FFFF  }
0xac: {  	[dreg:$0x1] =	wrdreg $0xFFFFFFFF  }
0xad: {  	[dreg:$0x0] =	wrdreg $0x60  }
0xae: {  	[dreg:$0x2] =	wrdreg s24  }
0xaf: {  	[dreg:$0x3] =	wrdreg s2  }
0xb0: {  	[dreg:$0x4] =	wrdreg $0x42000  }
0xb1: {  	[dreg:$0x5] =	wrdreg $0x9  }
0xb2: {  	_ =	task.clear_ibuf [dreg:s7], $0x6FFFF;
	_ =	strace $0x9000004C  }
0xb3: {  	s29 =	simm.s32 $0x9;
	_ =	strace $0x8000004E  }
0xb4: {  	_ =	swait.ge [sflag:s29], $0x1  }
0xb5: {  	[sflag:s29] =	ssyncadd.s32 $0xFFFFFFFF  }
0xb6: {  	_ =	strace $0x9000004E  }
0xb7: {  	_ =	sfence  }
0xb8: {  	s30 =	sld [smem:$0x0];
	_ =	sdelay $0x2  }
0xb9: {  	s31 =	sshll.u32 s1, $0xD;
	s1 =	sshrl.u32 s1, $0x2  }
0xba: {  	s3 =	sand.u32 $0x4000, s31;
	s1 =	sadd.s32 s1, s30  }
0xbb: {  	s0 =	sor.u32 s3, s0;
	s1 =	sshll.u32 s1, $0x11  }
0xbc: {  	s0 =	sor.u32 s1, s0  }
0xbd: {  	s0 =	sadd.s32 $0x8F2B, s0  }
0xbe: {  	[sflag:s0] =	ssyncadd.remote.s32 $0x1  }
0xbf: {  	_ =	sfence.sel $0xFFFF  }
0xc0: {  	[dreg:$0x0] =	wrdreg $0xFFFFFFFF;
	(pc) =	sbr.abs _section_cstart, $3  }
0xc1: {  	[dreg:$0x1] =	wrdreg $0xFFFFFFFF  }
0xc2: {  	_ =	task.clear_ibuf [dreg:s7], $0x2FFFF;
	_ =	strace $0x9FFFFFFF  }
0xc3: {  	(tm) =	ssettm $0x7FFFFFFF  }
tec
execute0_lowered:
.L_overlay_start_1:
0x0: {  	(tag) =	ssettag $0x1  }
0x1: {  	s1 =	srdreg.scid  }
0x2: {  	s1 =	sand.u32 $0x1, s1  }
0x3: {  	p0 =	seq.s32 s1, $0x1  }
.Ltmp0:
0x4: {  	s2 =	rddreg [dreg:$0x0];
	(pc) =	sbr.rel @p0 .LBB2_7-.Ltmp0, $4  }
0x5: {  	s14 =	rddreg [dreg:$0x1]  }
0x6: {  	s3 =	rddreg [dreg:$0x2];
	s4 =	simm.s32 $0x0  }
0x7: {  	[smem:$0x7FF] =	sst s4  }
0x8: {  	s0 =	rddreg [dreg:$0x3];
	_ =	strace $0x8000004D;
	s1 =	stileid.u32  }
0x9: {  	s8 =	smul.u32 $0xA000, s1  }
0xa: {  	s12 =	sadd.s32 $0x16000, s2;
	s15 =	sadd.s32 $0xC000, s2;
	s16 =	sadd.s32 $0x2A000, s2  }
0xb: {  	s11 =	smul.u32 $0x5000, s1;
	s9 =	sadd.s32 $0x2000, s8;
	s10 =	sadd.s32 $0x4000, s8  }
0xc: {  	s7 =	sadd.s32 s8, s3;
	s17 =	sadd.s32 $0x6000, s8;
	s18 =	sadd.s32 $0x8000, s8  }
0xd: {  	s13 =	sshrl.u32 s11, $0x3;
	s19 =	sor.u32 $0x80, s11;
	s8 =	sshrl.u32 s8, $0x3  }
0xe: {  	s20 =	sor.u32 $0x100, s11;
	s6 =	sadd.s32 s9, s3;
	s5 =	sadd.s32 s10, s3  }
0xf: {  	s4 =	sadd.s32 s17, s3;
	s2 =	sadd.s32 s18, s3;
	s21 =	sadd.s32 s15, s13  }
0x10: {  	s22 =	sadd.s32 s14, s13;
	s13 =	sadd.s32 s16, s8;
	s25 =	sshrl.u32 s9, $0x3  }
0x11: {  	s26 =	sshrl.u32 s10, $0x3;
	s28 =	sshrl.u32 s17, $0x3;
	s29 =	sshrl.u32 s18, $0x3  }
0x12: {  	s30 =	sshrl.u32 s19, $0x3;
	s31 =	sshrl.u32 s20, $0x3;
	s17 =	simm.s32 $0x100  }
0x13: {  	s11 =	sadd.s32 s16, s25;
	s10 =	sadd.s32 s16, s26;
	s9 =	sadd.s32 s16, s28  }
0x14: {  	s8 =	sadd.s32 s16, s29;
	s24 =	sadd.s32 s15, s30;
	s25 =	sadd.s32 s14, s30  }
0x15: {  	v0 =	vimm.f32 $0.0e+00;
	s20 =	sadd.s32 s15, s31;
	s19 =	sadd.s32 s14, s31;
	s16 =	simm.s32 $0x0  }
.LBB2_2:
0x16: {  	p0 =	sne.s32 s17, $0x7F00;
	[tilespmem:s16+$0x230] =	vst v0;
	s18 =	smov.u32 s17;
	s17 =	sadd.s32 $0x100, s17  }
.Ltmp1:
0x17: {  	[tilespmem:s16+$0x220] =	vst v0;
	(pc) =	sbr.rel @p0 .LBB2_2-.Ltmp1, $3  }
0x18: {  	[tilespmem:s16+$0x200] =	vst v0  }
0x19: {  	[tilespmem:s16+$0x210] =	vst v0;
	_ =	sdelay $0x1  }
0x1a: {  	s16 =	sshra.s32 s18, $0x2  }
0x1b: {  	[tilespmem:s16+$0x230] =	vst v0  }
0x1c: {  	[tilespmem:s16+$0x220] =	vst v0  }
0x1d: {  	[tilespmem:s16+$0x200] =	vst v0  }
0x1e: {  	[tilespmem:s16+$0x210] =	vst v0;
	s16 =	simm.s32 $0x200;
	s17 =	simm.s32 $0x5  }
0x1f: {  	[spmem:s7] =	stream.linear.scatter [tilespmem:s16], [sflag:$0x5], $0x2000, $0x38;
	[tilespmem:$0xE200] =	vst v63  }
0x20: {  	_ =	swait.ge [sflag:s17], $0x2000  }
0x21: {  	[sflag:s17] =	ssyncset.done $0x0  }
0x22: {  	[sflag:s17] =	ssyncadd.s32 $0xFFFFE000  }
0x23: {  	[spmem:s6] =	stream.linear.scatter [tilespmem:s16], [sflag:$0x5], $0x2000, $0x38;
	[tilespmem:$0xE200] =	vst v63  }
0x24: {  	_ =	swait.ge [sflag:s17], $0x2000  }
0x25: {  	[sflag:s17] =	ssyncset.done $0x0  }
0x26: {  	[sflag:s17] =	ssyncadd.s32 $0xFFFFE000  }
0x27: {  	[spmem:s5] =	stream.linear.scatter [tilespmem:s16], [sflag:$0x5], $0x2000, $0x38;
	[tilespmem:$0xE200] =	vst v63  }
0x28: {  	_ =	swait.ge [sflag:s17], $0x2000  }
0x29: {  	[sflag:s17] =	ssyncset.done $0x0  }
0x2a: {  	[sflag:s17] =	ssyncadd.s32 $0xFFFFE000  }
0x2b: {  	[spmem:s4] =	stream.linear.scatter [tilespmem:s16], [sflag:$0x5], $0x2000, $0x38;
	[tilespmem:$0xE200] =	vst v63  }
0x2c: {  	_ =	swait.ge [sflag:s17], $0x2000  }
0x2d: {  	[sflag:s17] =	ssyncset.done $0x0  }
0x2e: {  	[sflag:s17] =	ssyncadd.s32 $0xFFFFE000  }
0x2f: {  	[spmem:s2] =	stream.linear.scatter [tilespmem:s16], [sflag:$0x5], $0x2000, $0x38;
	[tilespmem:$0xE200] =	vst v63  }
0x30: {  	_ =	swait.ge [sflag:s17], $0x2000  }
0x31: {  	[sflag:s17] =	ssyncset.done $0x0  }
0x32: {  	[sflag:s17] =	ssyncadd.s32 $0xFFFFE000  }
0x33: {  	s18 =	simm.s32 $0x0;
	[bflag:$0x0] =	sbarrier.arrive $0xFFFF  }
0x34: {  	[tilespmem:s18], [sflag:$0x3] =	stream.linear.gather [hbm4b:s21+s18], $0x80, $0x38;
	[tilespmem:$0xE200] =	vst v63  }
0x35: {  	s21 =	simm.s32 $0x100  }
0x36: {  	[tilespmem:s21], [sflag:$0x3] =	stream.linear.gather [hbm4b:s22+s18], $0x80, $0x38;
	[tilespmem:$0xE200] =	vst v63  }
0x37: {  	s22 =	simm.s32 $0x3  }
0x38: {  	_ =	swait.ge [sflag:s22], $0x80  }
0x39: {  	[sflag:s22] =	ssyncset.done $0x0  }
0x3a: {  	[sflag:s22] =	ssyncadd.s32 $0xFFFFFF80  }
0x3b: {  	_ =	swait.ge [sflag:s22], $0x80  }
0x3c: {  	[sflag:s22] =	ssyncset.done $0x0  }
0x3d: {  	s23 =	simm.s32 $0x80;
	[sflag:s22] =	ssyncadd.s32 $0xFFFFFF80  }
0x3e: {  	[tilespmem:s16], [sflag:$0x1] =	stream.indirect.gather [hbm4b:s12+s23], $0x40, s18, s23, $0xb8;
	[tilespmem:$0xE200] =	vst v63  }
0x3f: {  	_ = 	snop  }
0x40: {  	[tilespmem:s23], [sflag:$0x4] =	stream.linear.gather [hbm4b:s24+s18], $0x80, $0x38;
	[tilespmem:$0xE200] =	vst v63  }
0x41: {  	s24 =	simm.s32 $0x180  }
0x42: {  	[tilespmem:s24], [sflag:$0x4] =	stream.linear.gather [hbm4b:s25+s18], $0x80, $0x38;
	[tilespmem:$0xE200] =	vst v63  }
0x43: {  	s25 =	simm.s32 $0x4  }
0x44: {  	_ =	swait.ge [sflag:s25], $0x80  }
0x45: {  	[sflag:s25] =	ssyncset.done $0x0  }
0x46: {  	[sflag:s25] =	ssyncadd.s32 $0xFFFFFF80  }
0x47: {  	_ =	swait.ge [sflag:s25], $0x80  }
0x48: {  	[sflag:s25] =	ssyncset.done $0x0  }
0x49: {  	s26 =	simm.s32 $0x2200;
	s28 =	simm.s32 $0x1;
	[sflag:s25] =	ssyncadd.s32 $0xFFFFFF80  }
0x4a: {  	[tilespmem:s26], [sflag:$0x2] =	stream.indirect.gather [hbm4b:s12+s23], $0x40, s23, s23, $0xb8;
	[tilespmem:$0xE200] =	vst v63  }
0x4b: {  	_ =	swait.ge [sflag:s28], $0x2000  }
0x4c: {  	[sflag:s28] =	ssyncset.done $0x0  }
0x4d: {  	[sflag:s28] =	ssyncadd.s32 $0xFFFFE000  }
0x4e: {  	[spmem:s3] =	stream.indirect.scatter.add.f32 [tilespmem:s16], [sflag:$0x5], $0x40, s21, s23, $0xb8;
	[tilespmem:$0xE200] =	vst v63  }
0x4f: {  	_ =	swait.ge [sflag:s17], $0x2000  }
0x50: {  	[sflag:s17] =	ssyncset.done $0x0  }
0x51: {  	s31 =	smul.u32 $0xA00, s1;
	[sflag:s17] =	ssyncadd.s32 $0xFFFFE000  }
0x52: {  	[tilespmem:s18], [sflag:$0x3] =	stream.linear.gather [hbm4b:s20+s18], $0x80, $0x38;
	[tilespmem:$0xE200] =	vst v63  }
0x53: {  	s14 =	sadd.s32 s31, s14  }
0x54: {  	[tilespmem:s21], [sflag:$0x3] =	stream.linear.gather [hbm4b:s19+s18], $0x80, $0x38;
	[tilespmem:$0xE200] =	vst v63  }
0x55: {  	s15 =	sadd.s32 s31, s15;
	s20 =	simm.s32 $0x2;
	s19 =	simm.s32 $0xFFFFF640  }
.LBB2_4:
0x56: {  	_ =	swait.ge [sflag:s22], $0x80  }
0x57: {  	[sflag:s22] =	ssyncset.done $0x0  }
0x58: {  	[sflag:s22] =	ssyncadd.s32 $0xFFFFFF80  }
0x59: {  	_ =	swait.ge [sflag:s22], $0x80  }
0x5a: {  	[sflag:s22] =	ssyncset.done $0x0  }
0x5b: {  	[sflag:s22] =	ssyncadd.s32 $0xFFFFFF80  }
0x5c: {  	[tilespmem:s16], [sflag:$0x1] =	stream.indirect.gather [hbm4b:s12+s23], $0x40, s18, s23, $0xb8;
	[tilespmem:$0xE200] =	vst v63  }
0x5d: {  	_ =	swait.ge [sflag:s20], $0x2000  }
0x5e: {  	[sflag:s20] =	ssyncset.done $0x0  }
0x5f: {  	[sflag:s20] =	ssyncadd.s32 $0xFFFFE000  }
0x60: {  	[spmem:s3] =	stream.indirect.scatter.add.f32 [tilespmem:s26], [sflag:$0x5], $0x40, s24, s23, $0xb8;
	[tilespmem:$0xE200] =	vst v63  }
0x61: {  	_ =	swait.ge [sflag:s17], $0x2000  }
0x62: {  	s29 =	sadd.s32 s19, s15;
	[sflag:s17] =	ssyncset.done $0x0  }
0x63: {  	s30 =	sadd.s32 $0x9F0, s29;
	[sflag:s17] =	ssyncadd.s32 $0xFFFFE000  }
0x64: {  	[tilespmem:s23], [sflag:$0x4] =	stream.linear.gather [hbm4b:s30+s18], $0x80, $0x38;
	[tilespmem:$0xE200] =	vst v63  }
0x65: {  	s30 =	sadd.s32 s19, s14  }
0x66: {  	s31 =	sadd.s32 $0x9F0, s30  }
0x67: {  	[tilespmem:s24], [sflag:$0x4] =	stream.linear.gather [hbm4b:s31+s18], $0x80, $0x38;
	[tilespmem:$0xE200] =	vst v63  }
0x68: {  	_ =	swait.ge [sflag:s25], $0x80  }
0x69: {  	[sflag:s25] =	ssyncset.done $0x0  }
0x6a: {  	[sflag:s25] =	ssyncadd.s32 $0xFFFFFF80  }
0x6b: {  	_ =	swait.ge [sflag:s25], $0x80  }
0x6c: {  	[sflag:s25] =	ssyncset.done $0x0  }
0x6d: {  	[sflag:s25] =	ssyncadd.s32 $0xFFFFFF80  }
0x6e: {  	[tilespmem:s26], [sflag:$0x2] =	stream.indirect.gather [hbm4b:s12+s23], $0x40, s23, s23, $0xb8;
	[tilespmem:$0xE200] =	vst v63  }
0x6f: {  	_ =	swait.ge [sflag:s28], $0x2000  }
0x70: {  	p0 =	seq.s32 s19, $0x0;
	[sflag:s28] =	ssyncset.done $0x0  }
.Ltmp2:
0x71: {  	[sflag:s28] =	ssyncadd.s32 $0xFFFFE000;
	(pc) =	sbr.rel @p0 .LBB2_6-.Ltmp2, $4  }
0x72: {  	[spmem:s3] =	stream.indirect.scatter.add.f32 [tilespmem:s16], [sflag:$0x5], $0x40, s21, s23, $0xb8;
	[tilespmem:$0xE200] =	vst v63  }
0x73: {  	_ =	swait.ge [sflag:s17], $0x2000  }
0x74: {  	[sflag:s17] =	ssyncset.done $0x0  }
0x75: {  	[sflag:s17] =	ssyncadd.s32 $0xFFFFE000  }
.Ltmp3:
0x76: {  	(pc) =	sbr.rel .LBB2_4-.Ltmp3, $4  }
0x77: {  	s29 =	sadd.s32 $0xA00, s29  }
0x78: {  	[tilespmem:s18], [sflag:$0x3] =	stream.linear.gather [hbm4b:s29+s18], $0x80, $0x38;
	[tilespmem:$0xE200] =	vst v63  }
0x79: {  	s31 =	sadd.s32 $0xA00, s30;
	s19 =	sadd.s32 $0x20, s19  }
0x7a: {  	[tilespmem:s21], [sflag:$0x3] =	stream.linear.gather [hbm4b:s31+s18], $0x80, $0x38;
	[tilespmem:$0xE200] =	vst v63  }
.LBB2_6:
0x7b: {  	s12 =	simm.s32 $0x2  }
0x7c: {  	_ =	swait.ge [sflag:s12], $0x2000  }
0x7d: {  	s29 =	simm.s32 $0x80;
	s14 =	simm.s32 $0x180;
	[sflag:s12] =	ssyncset.done $0x0  }
0x7e: {  	s15 =	simm.s32 $0x2200;
	s30 =	simm.s32 $0x5;
	[sflag:s12] =	ssyncadd.s32 $0xFFFFE000  }
0x7f: {  	[spmem:s3] =	stream.indirect.scatter.add.f32 [tilespmem:s15], [sflag:$0x5], $0x40, s14, s29, $0xb8;
	[tilespmem:$0xE200] =	vst v63  }
0x80: {  	_ =	swait.ge [sflag:s30], $0x2000  }
0x81: {  	[sflag:s30] =	ssyncset.done $0x0  }
0x82: {  	s31 =	sshll.u32 s1, $0x6;
	[sflag:s30] =	ssyncadd.s32 $0xFFFFE000  }
0x83: {  	s7 =	sshrl.u32 s7, $0x3;
	s12 =	sor.u32 $0x1C05, s31;
	[bflag:$0x0] =	sbarrier.arrive $0xFFFF  }
0x84: {  	[hbm:s13], [sflag:s12] =	dma.local [spmem:s7], $0x400  }
0x85: {  	_ =	swait.ge [sflag:s30], $0x400  }
0x86: {  	[sflag:s30] =	ssyncset.done $0x0  }
0x87: {  	s6 =	sshrl.u32 s6, $0x3;
	[sflag:s30] =	ssyncadd.s32 $0xFFFFFC00  }
0x88: {  	[hbm:s11], [sflag:s12] =	dma.local [spmem:s6], $0x400  }
0x89: {  	_ =	swait.ge [sflag:s30], $0x400  }
0x8a: {  	[sflag:s30] =	ssyncset.done $0x0  }
0x8b: {  	s5 =	sshrl.u32 s5, $0x3;
	[sflag:s30] =	ssyncadd.s32 $0xFFFFFC00  }
0x8c: {  	[hbm:s10], [sflag:s12] =	dma.local [spmem:s5], $0x400  }
0x8d: {  	_ =	swait.ge [sflag:s30], $0x400  }
0x8e: {  	[sflag:s30] =	ssyncset.done $0x0  }
0x8f: {  	s4 =	sshrl.u32 s4, $0x3;
	[sflag:s30] =	ssyncadd.s32 $0xFFFFFC00  }
0x90: {  	[hbm:s9], [sflag:s12] =	dma.local [spmem:s4], $0x400  }
0x91: {  	_ =	swait.ge [sflag:s30], $0x400  }
0x92: {  	[sflag:s30] =	ssyncset.done $0x0  }
0x93: {  	s2 =	sshrl.u32 s2, $0x3;
	[sflag:s30] =	ssyncadd.s32 $0xFFFFFC00  }
0x94: {  	[hbm:s8], [sflag:s12] =	dma.local [spmem:s2], $0x400  }
0x95: {  	_ =	swait.ge [sflag:s30], $0x400  }
0x96: {  	[sflag:s30] =	ssyncset.done $0x0  }
0x97: {  	[sflag:s30] =	ssyncadd.s32 $0xFFFFFC00  }
.LBB2_7:
0x98: {  	_ =	sfence.sel $0x180000  }
0x99: {  	[bflag:$0x0] =	sbarrier.arrive $0xFFFF  }
0x9a: {  	p0 =	sne.s32 s1, $0x0;
	_ =	strace $0x9000004D  }
0x9b: {  	s0 =	sadd.s32 @!p0 $0x100000, s0;
	[bflag:$0x2] =	sbarrier.arrive $0xFFFF  }
0x9c: {  	[sflag:s0] =	ssyncadd.tile.s32 @!p0 $0x1;
	_ =	shalt  }
.Lfunc_end2:
_tile_overlayer_lowered:
.L_overlay_start_2:
0x9d: {  	(tag) =	ssettag $0x2  }
0x9e: {  	s0 =	rddreg [dreg:$0x0];
	s2 =	stileid.u32  }
0x9f: {  	s1 =	rddreg [dreg:$0x1];
	p0 =	sne.s32 s2, $0x0  }
0xa0: {  	s3 =	rddreg [dreg:$0x2];
	[bflag:$0x3] =	sbarrier.arrive $0xFFFF;
	s2 =	simm.s32 @!p0 $0x1C05  }
0xa1: {  	[timem:s3], [sflag:s2] =	dma.local @!p0 [hbm:s0], s1  }
0xa2: {  	s0 =	simm.s32 @!p0 $0x5  }
0xa3: {  	_ =	swait.ge @!p0 [sflag:s0], s1  }
0xa4: {  	s1 =	ssub.s32 @!p0 $0x0, s1;
	[sflag:s0] =	ssyncset.done @!p0 $0x0  }
0xa5: {  	[sflag:s0] =	ssyncadd.s32 @!p0 s1  }
0xa6: {  	[bflag:$0x3] =	sbarrier.arrive $0xFFFF  }
0xa7: {  	_ =	shalt  }

// kernel: kernel.8.cloned.1.call-start
scs
__scs_entry_jumppad:
0x0: {  	(pc) =	sbr.rel $0x88, $3  }
0x1: {  	(tag) =	ssettag $0x0;
	lr =	simm.s32 $0x1  }
0x2: {  	[smem:$0x3F9B] =	sst lr;
	_ =	strace $0xD0000000  }
0x3: {  	_ = 	snop  }
0x4: {  	_ = 	snop  }
0x5: {  	_ = 	snop  }
0x6: {  	_ = 	snop  }
0x7: {  	_ = 	snop  }
__scs_overlays_trampoline_lowered:
0x8: {  	[smem:$0x3FAA] =	sst s0  }
0x9: {  	[smem:$0x3FAB] =	sst s1  }
0xa: {  	[smem:$0x3FAC] =	sst s2  }
0xb: {  	[smem:$0x3FAD] =	sst s3  }
0xc: {  	[smem:$0x3FAE] =	sst s4  }
0xd: {  	[smem:$0x3FAF] =	sst s5  }
0xe: {  	[smem:$0x3FB0] =	sst s6  }
0xf: {  	[smem:$0x3FB1] =	sst s7  }
0x10: {  	[smem:$0x3FB2] =	sst s8  }
0x11: {  	[smem:$0x3FB3] =	sst s9;
	s0 =	simm.s32 @!p0 $0x0  }
0x12: {  	s1 =	sld [smem:$0x3F99];
	s0 =	simm.s32 @p0 $0x1  }
0x13: {  	[smem:$0x3FB4] =	sst s0;
	s0 =	simm.s32 @!p1 $0x0  }
0x14: {  	s2 =	sld [smem:$0x3F98];
	s0 =	simm.s32 @p1 $0x1  }
0x15: {  	[smem:$0x3FB5] =	sst s0;
	s0 =	simm.s32 @!p2 $0x0  }
0x16: {  	s3 =	sld [smem:$0x3FDB];
	s0 =	simm.s32 @p2 $0x1  }
0x17: {  	s4 =	simm.s32 $0x1BF5;
	[smem:$0x3FB7] =	sst s0  }
0x18: {  	s0 =	sld [smem:$0x3F9A];
	_ =	swait.ge [sflag:s4], $0x0  }
0x19: {  	s7 =	sld [smem:$0x3F9B]  }
0x1a: {  	s8 =	sadd.s32 $0xFFFFE003, lr  }
0x1b: {  	s9 =	sadd.s32 $0xFFFFFEF7, lr;
	s5 =	simm.s32 $0xFFFFFFFF;
	p2 =	slt.u32 s8, $0xFFFFF086  }
0x1c: {  	p1 =	slt.u32 s9, $0xF7A;
	s5 =	simm.s32 @!p2 $0x0  }
0x1d: {  	s5 =	simm.s32 @p1 $0x1;
	p0 =	seq.s32 s7, s2  }
0x1e: {  	s7 =	smul.u32 @!p0 $0xF7A, s2;
	p2 =	seq.s32 @!p0 s5, $0x0  }
0x1f: {  	s9 =	smul.u32 $0xF7A, s1;
	s8 =	simm.s32 @!p0 $0x1BF5;
	p2 =	por !p2, p0  }
0x20: {  	[sflag:s8] =	ssyncset.s32 @!p0 $0xFFFFF086;
	s6 =	sadd.s32 @!p0 s3, s7;
	s7 =	simm.s32 @!p0 $0x108  }
0x21: {  	s3 =	sadd.s32 s3, s9;
	s6 =	sadd.s32 @!p0 $0x88, s6;
	s7 =	simm.s32 @p2 $0x1082  }
0x22: {  	[simem:s7], [sflag:s8] =	dma.local @!p0 [hbm:s6], $0xF7A  }
0x23: {  	s9 =	sor.u32 $0xD0000000, s2;
	s6 =	simm.s32 $0x108;
	_ =	swait.ge @!p0 [sflag:s8], $0x0  }
0x24: {  	s3 =	sadd.s32 $0x88, s3;
	s6 =	simm.s32 @!p1 $0x1082;
	[sflag:s4] =	ssyncset.s32 $0xFFFFF086  }
0x25: {  	[simem:s6], [sflag:s4] =	dma.local [hbm:s3], $0xF7A  }
0x26: {  	[smem:$0x3F9B] =	sst s1;
	(tag) =	ssettag s2;
	_ =	strace s9  }
0x27: {  	s1 =	sld [smem:$0x3FAB]  }
0x28: {  	s2 =	sld [smem:$0x3FAC]  }
0x29: {  	s4 =	sld [smem:$0x3FAE]  }
0x2a: {  	p0 =	seq.s32 s5, $0x0;
	s5 =	sld [smem:$0x3FAF]  }
0x2b: {  	s6 =	sld [smem:$0x3FB0]  }
0x2c: {  	s7 =	sld [smem:$0x3FB1]  }
0x2d: {  	s3 =	simm.s32 $0x108;
	s8 =	sld [smem:$0x3FB2]  }
0x2e: {  	s3 =	simm.s32 @!p0 $0x1082;
	s9 =	sld [smem:$0x3FB3]  }
0x2f: {  	lr =	sadd.s32 s0, s3;
	s0 =	sld [smem:$0x3FAA]  }
0x30: {  	s3 =	sld [smem:$0x3FAD]  }
0x31: {  	[smem:$0x3FB6] =	sst s10  }
0x32: {  	s10 =	sld [smem:$0x3FB4];
	_ =	sdelay $0x3  }
0x33: {  	p0 =	seq.s32 s10, $0x1;
	s10 =	sld [smem:$0x3FB6];
	_ =	sdelay $0x3  }
0x34: {  	[smem:$0x3FB6] =	sst s10  }
0x35: {  	s10 =	sld [smem:$0x3FB5];
	_ =	sdelay $0x3  }
0x36: {  	p1 =	seq.s32 s10, $0x1;
	s10 =	sld [smem:$0x3FB6];
	_ =	sdelay $0x3  }
0x37: {  	[smem:$0x3FB6] =	sst s10  }
0x38: {  	s10 =	sld [smem:$0x3FB7]  }
0x39: {  	_ = 	snop;
	(pc) =	sbr.ind lr, $3  }
0x3a: {  	_ = 	snop  }
0x3b: {  	_ = 	snop  }
0x3c: {  	p2 =	seq.s32 s10, $0x1;
	s10 =	sld [smem:$0x3FB6]  }
0x3d: {  	_ =	shalt  }
0x3e: {  	_ =	shalt  }
0x3f: {  	_ =	shalt  }
0x40: {  	_ =	shalt  }
0x41: {  	_ =	shalt  }
0x42: {  	_ =	shalt  }
0x43: {  	_ =	shalt  }
0x44: {  	_ =	shalt  }
0x45: {  	_ =	shalt  }
0x46: {  	_ =	shalt  }
0x47: {  	_ =	shalt  }
0x48: {  	_ =	shalt  }
0x49: {  	_ =	shalt  }
0x4a: {  	_ =	shalt  }
0x4b: {  	_ =	shalt  }
0x4c: {  	_ =	shalt  }
0x4d: {  	_ =	shalt  }
0x4e: {  	_ =	shalt  }
0x4f: {  	_ =	shalt  }
0x50: {  	_ =	shalt  }
0x51: {  	_ =	shalt  }
0x52: {  	_ =	shalt  }
0x53: {  	_ =	shalt  }
0x54: {  	_ =	shalt  }
0x55: {  	_ =	shalt  }
0x56: {  	_ =	shalt  }
0x57: {  	_ =	shalt  }
0x58: {  	_ =	shalt  }
0x59: {  	_ =	shalt  }
0x5a: {  	_ =	shalt  }
0x5b: {  	_ =	shalt  }
0x5c: {  	_ =	shalt  }
0x5d: {  	_ =	shalt  }
0x5e: {  	_ =	shalt  }
0x5f: {  	_ =	shalt  }
0x60: {  	_ =	shalt  }
0x61: {  	_ =	shalt  }
0x62: {  	_ =	shalt  }
0x63: {  	_ =	shalt  }
0x64: {  	_ =	shalt  }
0x65: {  	_ =	shalt  }
0x66: {  	_ =	shalt  }
0x67: {  	_ =	shalt  }
0x68: {  	_ =	shalt  }
0x69: {  	_ =	shalt  }
0x6a: {  	_ =	shalt  }
0x6b: {  	_ =	shalt  }
0x6c: {  	_ =	shalt  }
0x6d: {  	_ =	shalt  }
0x6e: {  	_ =	shalt  }
0x6f: {  	_ =	shalt  }
0x70: {  	_ =	shalt  }
0x71: {  	_ =	shalt  }
0x72: {  	_ =	shalt  }
0x73: {  	_ =	shalt  }
0x74: {  	_ =	shalt  }
0x75: {  	_ =	shalt  }
0x76: {  	_ =	shalt  }
0x77: {  	_ =	shalt  }
0x78: {  	_ =	shalt  }
0x79: {  	_ =	shalt  }
0x7a: {  	_ =	shalt  }
0x7b: {  	_ =	shalt  }
0x7c: {  	_ =	shalt  }
0x7d: {  	_ =	shalt  }
0x7e: {  	_ =	shalt  }
0x7f: {  	_ =	shalt  }
0x80: {  	_ =	shalt  }
0x81: {  	_ =	shalt  }
0x82: {  	_ =	shalt  }
0x83: {  	_ =	shalt  }
0x84: {  	_ =	shalt  }
0x85: {  	_ =	shalt  }
0x86: {  	_ =	shalt  }
0x87: {  	_ =	shalt  }
.Lfunc_end0:
.L_simem_size_0:
called_computation_lowered:
.L_overlay_start_0:
0x88: {  	s2 =	sld [smem:$0x3FD9]  }
0x89: {  	s3 =	sld [smem:$0x3FFE];
	_ =	sdelay $0x1  }
0x8a: {  	s1 =	srdreg.scid  }
0x8b: {  	s0 =	sand.u32 $0x1, s1  }
0x8c: {  	s17 =	sshll.u32 s0, $0xA;
	s2 =	sadd.s32 s3, s2  }
0x8d: {  	s2 =	sadd.s32 s2, s17  }
0x8e: {  	[smem:$0x3FC2] =	sst s2  }
0x8f: {  	_ = 	snop  }
0x90: {  	s2 =	sld [smem:$0x3FD0];
	(tm) =	ssettm $0x1  }
0x91: {  	s18 =	sld [smem:$0x3FFB];
	_ =	sdelay $0x3  }
0x92: {  	_ =	strace s18  }
0x93: {  	s3 =	sld [smem:$0x3FFC];
	_ =	sdelay $0x3  }
0x94: {  	_ =	strace s3  }
0x95: {  	s3 =	sld [smem:$0x3FFD];
	_ =	sdelay $0x3  }
0x96: {  	_ =	strace s3  }
0x97: {  	_ =	strace $0x8FFFFFFF  }
0x98: {  	s19 =	sld [smem:$0x3FDB];
	_ =	sdelay $0x1  }
0x99: {  	s4 =	simm.s32 $_scs_section_size  }
0x9a: {  	s5 =	simm.s32 $_size__tile_overlayer_lowered;
	s6 =	simm.s32 $_tile_overlayer_lowered  }
0x9b: {  	s22 =	simm.s32 $0x1BFF;
	s21 =	sshll.u32 s6, $0x1;
	s3 =	sadd.s32 s4, s19  }
0x9c: {  	s7 =	simm.s32 $0x0;
	s20 =	sshll.u32 s5, $0x1;
	s5 =	sadd.s32 s21, s3  }
0x9d: {  	[timem:s7], [sflag:s22] =	dma.local [hbm:s5], s20  }
0x9e: {  	_ =	swait.ge [sflag:s22], s20  }
0x9f: {  	s4 =	ssub.s32 $0x0, s20;
	[sflag:s22] =	ssyncset.done $0x0  }
0xa0: {  	[sflag:s22] =	ssyncadd.s32 s4;
	_ =	sdelay $0x1  }
0xa1: {  	s23 =	simm.s32 $0x1B8B  }
0xa2: {  	_ =	swait.ge [sflag:s23], $0x1  }
0xa3: {  	[sflag:s23] =	ssyncset.done $0x0  }
0xa4: {  	s25 =	simm.s32 $0x1B8E;
	s24 =	sld [smem:$0x3FFE];
	[sflag:s23] =	ssyncadd.s32 $0xFFFFFFFF  }
0xa5: {  	s26 =	simm.s32 $execute0_lowered;
	[smem:$0x3FD2] =	sst s25  }
0xa6: {  	s5 =	sshll.u32 s26, $0x1;
	_ =	strace $0x80000046;
	[dreg:$0x1] =	wrdreg $0xFFFFFFFF  }
0xa7: {  	s28 =	simm.s32 $_size_execute0_lowered;
	s3 =	sadd.s32 s3, s5;
	[dreg:$0x0] =	wrdreg $0x0  }
0xa8: {  	s5 =	sshll.u32 s28, $0x1;
	[dreg:$0x2] =	wrdreg s3  }
0xa9: {  	[dreg:$0x3] =	wrdreg s5  }
0xaa: {  	[dreg:$0x4] =	wrdreg $0xC0  }
0xab: {  	_ =	task [dreg:s7], $0x5FFFF  }
0xac: {  	[dreg:$0x1] =	wrdreg $0xFFFFFFFF  }
0xad: {  	[dreg:$0x0] =	wrdreg $0x60  }
0xae: {  	[dreg:$0x2] =	wrdreg s2  }
0xaf: {  	[dreg:$0x3] =	wrdreg s24  }
0xb0: {  	[dreg:$0x4] =	wrdreg $0x9  }
0xb1: {  	_ =	task.clear_ibuf [dreg:s7], $0x5FFFF;
	_ =	strace $0x90000046  }
0xb2: {  	s29 =	simm.s32 $0x9;
	_ =	strace $0x80000048  }
0xb3: {  	_ =	swait.ge [sflag:s29], $0x1  }
0xb4: {  	[sflag:s29] =	ssyncadd.s32 $0xFFFFFFFF  }
0xb5: {  	_ =	strace $0x90000048  }
0xb6: {  	_ =	sfence  }
0xb7: {  	s30 =	sld [smem:$0x0];
	_ =	sdelay $0x2  }
0xb8: {  	s31 =	sshll.u32 s1, $0xD;
	s1 =	sshrl.u32 s1, $0x2  }
0xb9: {  	s3 =	sand.u32 $0x4000, s31;
	s1 =	sadd.s32 s1, s30  }
0xba: {  	s0 =	sor.u32 s3, s0;
	s1 =	sshll.u32 s1, $0x11  }
0xbb: {  	s0 =	sor.u32 s1, s0  }
0xbc: {  	s0 =	sadd.s32 $0x8F2B, s0  }
0xbd: {  	[sflag:s0] =	ssyncadd.remote.s32 $0x1  }
0xbe: {  	_ =	sfence.sel $0xFFFF  }
0xbf: {  	[dreg:$0x0] =	wrdreg $0xFFFFFFFF;
	(pc) =	sbr.abs _section_cstart, $3  }
0xc0: {  	[dreg:$0x1] =	wrdreg $0xFFFFFFFF  }
0xc1: {  	_ =	task.clear_ibuf [dreg:s7], $0x2FFFF;
	_ =	strace $0x9FFFFFFF  }
0xc2: {  	(tm) =	ssettm $0x7FFFFFFF  }
0xc3: {  	_ =	shalt  }
tec
execute0_lowered:
.L_overlay_start_1:
0x0: {  	(tag) =	ssettag $0x1  }
0x1: {  	s0 =	srdreg.scid;
	s3 =	rddreg [dreg:$0x0]  }
0x2: {  	s5 =	rddreg [dreg:$0x1];
	s4 =	sand.u32 $0x1, s0  }
0x3: {  	s1 =	stileid.u32;
	s8 =	simm.s32 $0x0;
	s2 =	sshll.u32 s4, $0x4  }
0x4: {  	s4 =	ssub.s32 $0x2, s4;
	s6 =	sor.u32 s1, s2;
	s2 =	simm.s32 $0x0  }
0x5: {  	s7 =	sshrl.u32 s4, $0x1;
	s6 =	smul.u32 $0x500, s6;
	[smem:$0x7FF] =	sst s2  }
0x6: {  	s0 =	rddreg [dreg:$0x2];
	s7 =	ssub.s32 s4, s7;
	_ =	strace $0x80000047  }
0x7: {  	s5 =	sadd.s32 s6, s5;
	s3 =	sadd.s32 s3, s6;
	s6 =	simm.s32 $0x1  }
0x8: {  	v0 =	vimm.f32 $0.0e+00;
	v1 =	vimm.f32 $1.000000000e+00;
	s4 =	sadd.s32 $0x2000, s5;
	s5 =	smax.u32 s7, $0x1;
	s7 =	simm.s32 $0x2800  }
.LBB2_1:
0x9: {  	s9 =	simm.s32 $0x40;
	s10 =	simm.s32 $0x0  }
.LBB2_2:
0xa: {  	p0 =	sne.s32 s9, $0x9FC0;
	[tilespmem:s10+$0x2800] =	vst v0;
	s10 =	smov.u32 s9;
	s9 =	sadd.s32 $0x40, s9  }
.Ltmp0:
0xb: {  	(pc) =	sbr.rel @p0 .LBB2_2-.Ltmp0, $2  }
0xc: {  	_ =	sdelay $0x2  }
0xd: {  	s10 =	sshra.s32 s10, $0x2  }
0xe: {  	[tilespmem:s10+$0x2800] =	vst v0;
	s9 =	simm.s32 $0x0  }
0xf: {  	[tilespmem:s9], [sflag:$0x1] =	stream.linear.gather [hbm4b:s3+s9], $0x2800, $0x38;
	[tilespmem:$0x5000] =	vst v63  }
0x10: {  	_ =	swait.ge [sflag:s6], $0x2800  }
0x11: {  	[sflag:s6] =	ssyncset.done $0x0  }
0x12: {  	[sflag:s6] =	ssyncadd.s32 $0xFFFFD800  }
.LBB2_4:
0x13: {  	s10 =	sshra.s32 s9, $0x2  }
0x14: {  	v2 =	vld [tilespmem:s10+$0x0];
	_ =	sdelay $0x7  }
0x15: {  	[tilespmem:v2+s7+$0x0] =	vst.idx.add.f32.msk $0xffff, v1  }
0x16: {  	v2 =	vld [tilespmem:s10+$0x10];
	_ =	sdelay $0x7  }
0x17: {  	[tilespmem:v2+s7+$0x0] =	vst.idx.add.f32.msk $0xffff, v1  }
0x18: {  	v2 =	vld [tilespmem:s10+$0x20];
	_ =	sdelay $0x7  }
0x19: {  	[tilespmem:v2+s7+$0x0] =	vst.idx.add.f32.msk $0xffff, v1  }
0x1a: {  	v2 =	vld [tilespmem:s10+$0x30];
	_ =	sdelay $0x7  }
0x1b: {  	[tilespmem:v2+s7+$0x0] =	vst.idx.add.f32.msk $0xffff, v1  }
0x1c: {  	v2 =	vld [tilespmem:s10+$0x40];
	_ =	sdelay $0x7  }
0x1d: {  	[tilespmem:v2+s7+$0x0] =	vst.idx.add.f32.msk $0xffff, v1  }
0x1e: {  	v2 =	vld [tilespmem:s10+$0x50];
	_ =	sdelay $0x7  }
0x1f: {  	[tilespmem:v2+s7+$0x0] =	vst.idx.add.f32.msk $0xffff, v1  }
0x20: {  	v2 =	vld [tilespmem:s10+$0x60];
	_ =	sdelay $0x7  }
0x21: {  	[tilespmem:v2+s7+$0x0] =	vst.idx.add.f32.msk $0xffff, v1  }
0x22: {  	v2 =	vld [tilespmem:s10+$0x70];
	_ =	sdelay $0x2  }
0x23: {  	p0 =	sne.s32 s9, $0x9E00  }
.Ltmp1:
0x24: {  	_ = 	snop;
	(pc) =	sbr.rel @p0 .LBB2_4-.Ltmp1, $2  }
0x25: {  	_ =	sdelay $0x2  }
0x26: {  	s9 =	sadd.s32 $0x200, s9;
	[tilespmem:v2+s7+$0x0] =	vst.idx.add.f32.msk $0xffff, v1  }
0x27: {  	s8 =	sadd.s32 $0x1, s8  }
0x28: {  	p0 =	sne.s32 s8, s5  }
.Ltmp2:
0x29: {  	_ = 	snop;
	(pc) =	sbr.rel @p0 .LBB2_1-.Ltmp2, $4  }
0x2a: {  	[hbm4b:s4+s2] =	stream.linear.scatter [tilespmem:s7], [sflag:$0x1], $0x2800, $0x38;
	[tilespmem:$0x5000] =	vst v63  }
0x2b: {  	_ =	swait.ge [sflag:s6], $0x2800  }
0x2c: {  	[sflag:s6] =	ssyncset.done $0x0  }
0x2d: {  	[sflag:s6] =	ssyncadd.s32 $0xFFFFD800  }
0x2e: {  	_ =	sfence.sel $0x180000  }
0x2f: {  	[bflag:$0x0] =	sbarrier.arrive $0xFFFF  }
0x30: {  	p0 =	sne.s32 s1, $0x0;
	_ =	strace $0x90000047  }
0x31: {  	s0 =	sadd.s32 @!p0 $0x100000, s0;
	[bflag:$0x2] =	sbarrier.arrive $0xFFFF  }
0x32: {  	[sflag:s0] =	ssyncadd.tile.s32 @!p0 $0x1;
	_ =	shalt  }
.Lfunc_end2:
_tile_overlayer_lowered:
.L_overlay_start_2:
0x33: {  	(tag) =	ssettag $0x2  }
0x34: {  	s0 =	rddreg [dreg:$0x0];
	s2 =	stileid.u32  }
0x35: {  	s1 =	rddreg [dreg:$0x1];
	p0 =	sne.s32 s2, $0x0  }
0x36: {  	s3 =	rddreg [dreg:$0x2];
	[bflag:$0x3] =	sbarrier.arrive $0xFFFF;
	s2 =	simm.s32 @!p0 $0x1C01  }
0x37: {  	[timem:s3], [sflag:s2] =	dma.local @!p0 [hbm:s0], s1  }
0x38: {  	s0 =	simm.s32 @!p0 $0x1  }
0x39: {  	_ =	swait.ge @!p0 [sflag:s0], s1  }
0x3a: {  	s1 =	ssub.s32 @!p0 $0x0, s1;
	[sflag:s0] =	ssyncset.done @!p0 $0x0  }
0x3b: {  	[sflag:s0] =	ssyncadd.s32 @!p0 s1  }
0x3c: {  	[bflag:$0x3] =	sbarrier.arrive $0xFFFF  }
0x3d: {  	_ =	shalt  }

</sc_bundles>
